<compile_context>
chip_gen: v7x
topology: tpu7x:2x2x1
jax: 0.10.2.dev20260603
libtpu: 0.0.44.dev20260713+nightly
codegen_flags: <defaults>
</compile_context>

<pallas_src>
import functools

import jax
import jax.numpy as jnp
from jax import lax
from jax.experimental import pallas as pl
from jax.experimental.pallas import tpu as pltpu
from jax.experimental.pallas import tpu_sc as plsc

DIM = 64
NC = 2
NS = 16
NW = NC * NS
IDXW = 128
KPC = 5
CHUNK = KPC * IDXW
NIB = 4
U = 4


@functools.partial(jax.jit, static_argnames=("b_total",))
def _sc_gather(table, idx1d, b_total):
    b_per_w = b_total // NW
    n_chunks = b_per_w // CHUNK
    mesh = plsc.VectorSubcoreMesh(core_axis_name="c", subcore_axis_name="s")

    @functools.partial(
        pl.kernel,
        mesh=mesh,
        compiler_params=pltpu.CompilerParams(use_tc_tiling_on_sc=False),
        out_type=jax.ShapeDtypeStruct((b_total, DIM), jnp.float32),
        scratch_types=(
            [pltpu.VMEM((CHUNK,), jnp.int32) for _ in range(NIB)]
            + [pltpu.VMEM((CHUNK, DIM), jnp.float32) for _ in range(2)]
            + [pltpu.SemaphoreType.DMA for _ in range(NIB + 4)]
        ),
    )
    def k(table_hbm, idx_hbm, out_hbm,
          iv0, iv1, iv2, iv3, rows_v0, rows_v1,
          si0, si1, si2, si3, sg0, sg1, so0, so1):
        idx_v = (iv0, iv1, iv2, iv3)
        rows_v = (rows_v0, rows_v1)
        sem_i = (si0, si1, si2, si3)
        sem_g = (sg0, sg1)
        sem_o = (so0, so1)

        wid = lax.axis_index("s") * NC + lax.axis_index("c")
        base_row = wid * b_per_w

        def idx_load(c, ib):
            pltpu.async_copy(
                idx_hbm.at[pl.ds(base_row + c * CHUNK, CHUNK)],
                idx_v[ib], sem_i[ib])

        def idx_wait(ib):
            pltpu.make_async_copy(
                idx_hbm.at[pl.ds(0, CHUNK)], idx_v[ib], sem_i[ib]).wait()

        def fire_gathers(rb, ib):
            for j in range(KPC):
                pltpu.async_copy(
                    table_hbm.at[idx_v[ib].at[pl.ds(j * IDXW, IDXW)]],
                    rows_v[rb].at[pl.ds(j * IDXW, IDXW)],
                    sem_g[rb])

        def wait_gathers(rb, ib):
            for j in range(KPC):
                pltpu.make_async_copy(
                    table_hbm.at[idx_v[ib].at[pl.ds(j * IDXW, IDXW)]],
                    rows_v[rb].at[pl.ds(j * IDXW, IDXW)],
                    sem_g[rb]).wait()

        def out_write(c, rb):
            pltpu.async_copy(
                rows_v[rb], out_hbm.at[pl.ds(base_row + c * CHUNK, CHUNK)],
                sem_o[rb])

        def out_wait(rb):
            pltpu.make_async_copy(
                rows_v[rb], out_hbm.at[pl.ds(0, CHUNK)], sem_o[rb]).wait()

        for c in range(3):
            idx_load(c, c)
        idx_wait(0)
        fire_gathers(0, 0)
        idx_load(3, 3)
        for c in range(1, U):
            idx_wait(c % NIB)
            if c >= 2:
                out_wait(c % 2)
            fire_gathers(c % 2, c % NIB)
            wait_gathers((c - 1) % 2, (c - 1) % NIB)
            idx_load(c + 3, (c + 3) % NIB)
            out_write(c - 1, (c - 1) % 2)

        def body(g, carry):
            c0 = U * g
            for u in range(U):
                c = c0 + u
                idx_wait(u)
                out_wait(u % 2)
                fire_gathers(u % 2, u)
                wait_gathers((u + 3) % 2, (u + 3) % NIB)
                nxt = jnp.minimum(c + 3, n_chunks - 1)
                idx_load(nxt, (u + 3) % NIB)
                out_write(c - 1, (u + 3) % 2)
            return carry

        lax.fori_loop(1, n_chunks // U, body, 0)

        last = n_chunks - 1
        wait_gathers(last % 2, last % NIB)
        out_write(last, last % 2)
        out_wait((last - 1) % 2)
        out_wait(last % 2)
        for ib in range(3):
            idx_wait(ib)

    return k(table, idx1d)


def kernel(bos_tensor, table):
    b, l = bos_tensor.shape
    b_total = b * l
    idx1d = bos_tensor.astype(jnp.int32).reshape(b_total)
    out = _sc_gather(table, idx1d, b_total)
    return out.reshape(b, l, DIM)

# --- scband reference (transcript-rebuilt; emitter-appended) ---
"""Pipeline reference for scband-bos-embedding-25220047962449 (READ-ONLY COPY).

The authoritative reference and input builder live on the scoring server;
editing this copy changes nothing except your own understanding.
"""

import jax, jax.numpy as jnp
import numpy as np

VOCAB = 100000
DIM = 64
B = 16384
L = 50
PAD_IDX = 0  # char2id['<BOS>']


def setup_inputs(seed: int = 0) -> dict:
    key = jax.random.key(seed)
    k_table, k_idx = jax.random.split(key)
    # learned embedding table; padding_idx row is zero (torch nn.Embedding semantics)
    table = jax.random.normal(k_table, (VOCAB, DIM), dtype=jnp.float32)
    table = table.at[PAD_IDX].set(0.0)
    bos_tensor = jax.random.randint(k_idx, (B, L), 0, VOCAB)
    return {"bos_tensor": bos_tensor, "table": table}


def reference(bos_tensor, table):
    # BosEmbedding.forward: output = self.word_embeddings(bos_tensor)
    output = jnp.take(table, bos_tensor, axis=0)
    return output

if __name__ == "__main__":
    import jax
    _d = setup_inputs()
    print(jax.jit(kernel)(*tuple(_d.values())))

</pallas_src>

<mosaic_0001>
#map = affine_map<(d0, d1) -> (0, 0)>
#map1 = affine_map<(d0, d1) -> (0)>
module attributes {stable_mosaic.version = 14 : i64} {
  func.func @k(%arg0: i32, %arg1: i32, %arg2: memref<100000x64xf32, #tpu.memory_space<hbm>>, %arg3: memref<819200xi32, #tpu.memory_space<hbm>>, %arg4: memref<819200x64xf32, #tpu.memory_space<hbm>>, %arg5: memref<640xi32, #tpu.memory_space<vmem>>, %arg6: memref<640xi32, #tpu.memory_space<vmem>>, %arg7: memref<640xi32, #tpu.memory_space<vmem>>, %arg8: memref<640xi32, #tpu.memory_space<vmem>>, %arg9: memref<640x64xf32, #tpu.memory_space<vmem>>, %arg10: memref<640x64xf32, #tpu.memory_space<vmem>>, %arg11: memref<!tpu.dma_semaphore, #tpu.memory_space<semaphore_mem>>, %arg12: memref<!tpu.dma_semaphore, #tpu.memory_space<semaphore_mem>>, %arg13: memref<!tpu.dma_semaphore, #tpu.memory_space<semaphore_mem>>, %arg14: memref<!tpu.dma_semaphore, #tpu.memory_space<semaphore_mem>>, %arg15: memref<!tpu.dma_semaphore, #tpu.memory_space<semaphore_mem>>, %arg16: memref<!tpu.dma_semaphore, #tpu.memory_space<semaphore_mem>>, %arg17: memref<!tpu.dma_semaphore, #tpu.memory_space<semaphore_mem>>, %arg18: memref<!tpu.dma_semaphore, #tpu.memory_space<semaphore_mem>>) attributes {dimension_semantics = [#tpu.dimension_semantics<core_parallel>, #tpu.dimension_semantics<subcore_parallel>], iteration_bounds = array<i64: 2, 16>, scalar_prefetch = 0 : i64, scratch_operands = 14 : i64, tpu.core_type = #tpu.core_type<sc_vector_subcore>, window_params = [{transform_indices = #map}, {transform_indices = #map1}, {transform_indices = #map}]} {
    %mul3A = arith.constant 2 : i32
    %mul3A_0 = arith.muli %arg1, %mul3A : i32
    %add3A = arith.addi %mul3A_0, %arg0 : i32
    %mul3A_1 = arith.constant 25600 : i32
    %mul3A_2 = arith.muli %add3A, %mul3A_1 : i32
    %add3A_3 = arith.constant 0 : i32
    %add3A_4 = arith.addi %mul3A_2, %add3A_3 : i32
    %dma_start3A = tpu.memref_slice %arg3[%add3A_4] : memref<819200xi32, #tpu.memory_space<hbm>> -> memref<640xi32, #tpu.memory_space<hbm>>
    %dma_start3A_5 = tpu.memref_slice %arg3[%add3A_4] : memref<819200xi32, #tpu.memory_space<hbm>> -> memref<640xi32, #tpu.memory_space<hbm>>
    tpu.enqueue_dma source(%dma_start3A_5 : memref<640xi32, #tpu.memory_space<hbm>>) target(%arg5 : memref<640xi32, #tpu.memory_space<vmem>>) target_semaphore(%arg11 : memref<!tpu.dma_semaphore, #tpu.memory_space<semaphore_mem>>)
    %add3A_6 = arith.constant 640 : i32
    %add3A_7 = arith.addi %mul3A_2, %add3A_6 : i32
    %dma_start3A_8 = tpu.memref_slice %arg3[%add3A_7] : memref<819200xi32, #tpu.memory_space<hbm>> -> memref<640xi32, #tpu.memory_space<hbm>>
    %dma_start3A_9 = tpu.memref_slice %arg3[%add3A_7] : memref<819200xi32, #tpu.memory_space<hbm>> -> memref<640xi32, #tpu.memory_space<hbm>>
    tpu.enqueue_dma source(%dma_start3A_9 : memref<640xi32, #tpu.memory_space<hbm>>) target(%arg6 : memref<640xi32, #tpu.memory_space<vmem>>) target_semaphore(%arg12 : memref<!tpu.dma_semaphore, #tpu.memory_space<semaphore_mem>>)
    %add3A_10 = arith.constant 1280 : i32
    %add3A_11 = arith.addi %mul3A_2, %add3A_10 : i32
    %dma_start3A_12 = tpu.memref_slice %arg3[%add3A_11] : memref<819200xi32, #tpu.memory_space<hbm>> -> memref<640xi32, #tpu.memory_space<hbm>>
    %dma_start3A_13 = tpu.memref_slice %arg3[%add3A_11] : memref<819200xi32, #tpu.memory_space<hbm>> -> memref<640xi32, #tpu.memory_space<hbm>>
    tpu.enqueue_dma source(%dma_start3A_13 : memref<640xi32, #tpu.memory_space<hbm>>) target(%arg7 : memref<640xi32, #tpu.memory_space<vmem>>) target_semaphore(%arg13 : memref<!tpu.dma_semaphore, #tpu.memory_space<semaphore_mem>>)
    %dma_wait3A = arith.constant 0 : i32
    %dma_wait3A_14 = tpu.memref_slice %arg3[%dma_wait3A] : memref<819200xi32, #tpu.memory_space<hbm>> -> memref<640xi32, #tpu.memory_space<hbm>>
    %dma_wait3A_15 = arith.constant 0 : i32
    %dma_wait3A_16 = tpu.memref_slice %arg3[%dma_wait3A_15] : memref<819200xi32, #tpu.memory_space<hbm>> -> memref<640xi32, #tpu.memory_space<hbm>>
    tpu.wait_dma2 semaphore(%arg11 : memref<!tpu.dma_semaphore, #tpu.memory_space<semaphore_mem>>) src(%dma_wait3A_16 : memref<640xi32, #tpu.memory_space<hbm>>) dst(%arg5 : memref<640xi32, #tpu.memory_space<vmem>>)
    %dma_start3A_17 = arith.constant 0 : i32
    %dma_start3A_18 = arith.constant 0 : i32
    %dma_start3A_19 = tpu.memref_slice %arg9[%dma_start3A_17, %dma_start3A_18] : memref<640x64xf32, #tpu.memory_space<vmem>> -> memref<128x64xf32, #tpu.memory_space<vmem>>
    %dma_start3A_20 = arith.constant 0 : i32
    %dma_start3A_21 = tpu.memref_slice %arg5[%dma_start3A_20] : memref<640xi32, #tpu.memory_space<vmem>> -> memref<128xi32, #tpu.memory_space<vmem>>
    %dma_start3A_22 = arith.constant 0 : i32
    %dma_start3A_23 = arith.constant 0 : i32
    %dma_start3A_24 = tpu.memref_slice %arg2[%dma_start3A_22, %dma_start3A_23] : memref<100000x64xf32, #tpu.memory_space<hbm>> -> memref<100000x64xf32, #tpu.memory_space<hbm>>
    tpu.enqueue_indirect_dma source(%dma_start3A_24 : memref<100000x64xf32, #tpu.memory_space<hbm>>) target(%dma_start3A_19 : memref<128x64xf32, #tpu.memory_space<vmem>>) offsets(%dma_start3A_21 : memref<128xi32, #tpu.memory_space<vmem>>) semaphore(%arg15 : memref<!tpu.dma_semaphore, #tpu.memory_space<semaphore_mem>>)
    %dma_start3A_25 = arith.constant 128 : i32
    %dma_start3A_26 = arith.constant 0 : i32
    %dma_start3A_27 = tpu.memref_slice %arg9[%dma_start3A_25, %dma_start3A_26] : memref<640x64xf32, #tpu.memory_space<vmem>> -> memref<128x64xf32, #tpu.memory_space<vmem>>
    %dma_start3A_28 = arith.constant 128 : i32
    %dma_start3A_29 = tpu.memref_slice %arg5[%dma_start3A_28] : memref<640xi32, #tpu.memory_space<vmem>> -> memref<128xi32, #tpu.memory_space<vmem>>
    %dma_start3A_30 = arith.constant 0 : i32
    %dma_start3A_31 = arith.constant 0 : i32
    %dma_start3A_32 = tpu.memref_slice %arg2[%dma_start3A_30, %dma_start3A_31] : memref<100000x64xf32, #tpu.memory_space<hbm>> -> memref<100000x64xf32, #tpu.memory_space<hbm>>
    tpu.enqueue_indirect_dma source(%dma_start3A_32 : memref<100000x64xf32, #tpu.memory_space<hbm>>) target(%dma_start3A_27 : memref<128x64xf32, #tpu.memory_space<vmem>>) offsets(%dma_start3A_29 : memref<128xi32, #tpu.memory_space<vmem>>) semaphore(%arg15 : memref<!tpu.dma_semaphore, #tpu.memory_space<semaphore_mem>>)
    %dma_start3A_33 = arith.constant 256 : i32
    %dma_start3A_34 = arith.constant 0 : i32
    %dma_start3A_35 = tpu.memref_slice %arg9[%dma_start3A_33, %dma_start3A_34] : memref<640x64xf32, #tpu.memory_space<vmem>> -> memref<128x64xf32, #tpu.memory_space<vmem>>
    %dma_start3A_36 = arith.constant 256 : i32
    %dma_start3A_37 = tpu.memref_slice %arg5[%dma_start3A_36] : memref<640xi32, #tpu.memory_space<vmem>> -> memref<128xi32, #tpu.memory_space<vmem>>
    %dma_start3A_38 = arith.constant 0 : i32
    %dma_start3A_39 = arith.constant 0 : i32
    %dma_start3A_40 = tpu.memref_slice %arg2[%dma_start3A_38, %dma_start3A_39] : memref<100000x64xf32, #tpu.memory_space<hbm>> -> memref<100000x64xf32, #tpu.memory_space<hbm>>
    tpu.enqueue_indirect_dma source(%dma_start3A_40 : memref<100000x64xf32, #tpu.memory_space<hbm>>) target(%dma_start3A_35 : memref<128x64xf32, #tpu.memory_space<vmem>>) offsets(%dma_start3A_37 : memref<128xi32, #tpu.memory_space<vmem>>) semaphore(%arg15 : memref<!tpu.dma_semaphore, #tpu.memory_space<semaphore_mem>>)
    %dma_start3A_41 = arith.constant 384 : i32
    %dma_start3A_42 = arith.constant 0 : i32
    %dma_start3A_43 = tpu.memref_slice %arg9[%dma_start3A_41, %dma_start3A_42] : memref<640x64xf32, #tpu.memory_space<vmem>> -> memref<128x64xf32, #tpu.memory_space<vmem>>
    %dma_start3A_44 = arith.constant 384 : i32
    %dma_start3A_45 = tpu.memref_slice %arg5[%dma_start3A_44] : memref<640xi32, #tpu.memory_space<vmem>> -> memref<128xi32, #tpu.memory_space<vmem>>
    %dma_start3A_46 = arith.constant 0 : i32
    %dma_start3A_47 = arith.constant 0 : i32
    %dma_start3A_48 = tpu.memref_slice %arg2[%dma_start3A_46, %dma_start3A_47] : memref<100000x64xf32, #tpu.memory_space<hbm>> -> memref<100000x64xf32, #tpu.memory_space<hbm>>
    tpu.enqueue_indirect_dma source(%dma_start3A_48 : memref<100000x64xf32, #tpu.memory_space<hbm>>) target(%dma_start3A_43 : memref<128x64xf32, #tpu.memory_space<vmem>>) offsets(%dma_start3A_45 : memref<128xi32, #tpu.memory_space<vmem>>) semaphore(%arg15 : memref<!tpu.dma_semaphore, #tpu.memory_space<semaphore_mem>>)
    %dma_start3A_49 = arith.constant 512 : i32
    %dma_start3A_50 = arith.constant 0 : i32
    %dma_start3A_51 = tpu.memref_slice %arg9[%dma_start3A_49, %dma_start3A_50] : memref<640x64xf32, #tpu.memory_space<vmem>> -> memref<128x64xf32, #tpu.memory_space<vmem>>
    %dma_start3A_52 = arith.constant 512 : i32
    %dma_start3A_53 = tpu.memref_slice %arg5[%dma_start3A_52] : memref<640xi32, #tpu.memory_space<vmem>> -> memref<128xi32, #tpu.memory_space<vmem>>
    %dma_start3A_54 = arith.constant 0 : i32
    %dma_start3A_55 = arith.constant 0 : i32
    %dma_start3A_56 = tpu.memref_slice %arg2[%dma_start3A_54, %dma_start3A_55] : memref<100000x64xf32, #tpu.memory_space<hbm>> -> memref<100000x64xf32, #tpu.memory_space<hbm>>
    tpu.enqueue_indirect_dma source(%dma_start3A_56 : memref<100000x64xf32, #tpu.memory_space<hbm>>) target(%dma_start3A_51 : memref<128x64xf32, #tpu.memory_space<vmem>>) offsets(%dma_start3A_53 : memref<128xi32, #tpu.memory_space<vmem>>) semaphore(%arg15 : memref<!tpu.dma_semaphore, #tpu.memory_space<semaphore_mem>>)
    %add3A_57 = arith.constant 1920 : i32
    %add3A_58 = arith.addi %mul3A_2, %add3A_57 : i32
    %dma_start3A_59 = tpu.memref_slice %arg3[%add3A_58] : memref<819200xi32, #tpu.memory_space<hbm>> -> memref<640xi32, #tpu.memory_space<hbm>>
    %dma_start3A_60 = tpu.memref_slice %arg3[%add3A_58] : memref<819200xi32, #tpu.memory_space<hbm>> -> memref<640xi32, #tpu.memory_space<hbm>>
    tpu.enqueue_dma source(%dma_start3A_60 : memref<640xi32, #tpu.memory_space<hbm>>) target(%arg8 : memref<640xi32, #tpu.memory_space<vmem>>) target_semaphore(%arg14 : memref<!tpu.dma_semaphore, #tpu.memory_space<semaphore_mem>>)
    %dma_wait3A_61 = arith.constant 0 : i32
    %dma_wait3A_62 = tpu.memref_slice %arg3[%dma_wait3A_61] : memref<819200xi32, #tpu.memory_space<hbm>> -> memref<640xi32, #tpu.memory_space<hbm>>
    %dma_wait3A_63 = arith.constant 0 : i32
    %dma_wait3A_64 = tpu.memref_slice %arg3[%dma_wait3A_63] : memref<819200xi32, #tpu.memory_space<hbm>> -> memref<640xi32, #tpu.memory_space<hbm>>
    tpu.wait_dma2 semaphore(%arg12 : memref<!tpu.dma_semaphore, #tpu.memory_space<semaphore_mem>>) src(%dma_wait3A_64 : memref<640xi32, #tpu.memory_space<hbm>>) dst(%arg6 : memref<640xi32, #tpu.memory_space<vmem>>)
    %dma_start3A_65 = arith.constant 0 : i32
    %dma_start3A_66 = arith.constant 0 : i32
    %dma_start3A_67 = tpu.memref_slice %arg10[%dma_start3A_65, %dma_start3A_66] : memref<640x64xf32, #tpu.memory_space<vmem>> -> memref<128x64xf32, #tpu.memory_space<vmem>>
    %dma_start3A_68 = arith.constant 0 : i32
    %dma_start3A_69 = tpu.memref_slice %arg6[%dma_start3A_68] : memref<640xi32, #tpu.memory_space<vmem>> -> memref<128xi32, #tpu.memory_space<vmem>>
    %dma_start3A_70 = arith.constant 0 : i32
    %dma_start3A_71 = arith.constant 0 : i32
    %dma_start3A_72 = tpu.memref_slice %arg2[%dma_start3A_70, %dma_start3A_71] : memref<100000x64xf32, #tpu.memory_space<hbm>> -> memref<100000x64xf32, #tpu.memory_space<hbm>>
    tpu.enqueue_indirect_dma source(%dma_start3A_72 : memref<100000x64xf32, #tpu.memory_space<hbm>>) target(%dma_start3A_67 : memref<128x64xf32, #tpu.memory_space<vmem>>) offsets(%dma_start3A_69 : memref<128xi32, #tpu.memory_space<vmem>>) semaphore(%arg16 : memref<!tpu.dma_semaphore, #tpu.memory_space<semaphore_mem>>)
    %dma_start3A_73 = arith.constant 128 : i32
    %dma_start3A_74 = arith.constant 0 : i32
    %dma_start3A_75 = tpu.memref_slice %arg10[%dma_start3A_73, %dma_start3A_74] : memref<640x64xf32, #tpu.memory_space<vmem>> -> memref<128x64xf32, #tpu.memory_space<vmem>>
    %dma_start3A_76 = arith.constant 128 : i32
    %dma_start3A_77 = tpu.memref_slice %arg6[%dma_start3A_76] : memref<640xi32, #tpu.memory_space<vmem>> -> memref<128xi32, #tpu.memory_space<vmem>>
    %dma_start3A_78 = arith.constant 0 : i32
    %dma_start3A_79 = arith.constant 0 : i32
    %dma_start3A_80 = tpu.memref_slice %arg2[%dma_start3A_78, %dma_start3A_79] : memref<100000x64xf32, #tpu.memory_space<hbm>> -> memref<100000x64xf32, #tpu.memory_space<hbm>>
    tpu.enqueue_indirect_dma source(%dma_start3A_80 : memref<100000x64xf32, #tpu.memory_space<hbm>>) target(%dma_start3A_75 : memref<128x64xf32, #tpu.memory_space<vmem>>) offsets(%dma_start3A_77 : memref<128xi32, #tpu.memory_space<vmem>>) semaphore(%arg16 : memref<!tpu.dma_semaphore, #tpu.memory_space<semaphore_mem>>)
    %dma_start3A_81 = arith.constant 256 : i32
    %dma_start3A_82 = arith.constant 0 : i32
    %dma_start3A_83 = tpu.memref_slice %arg10[%dma_start3A_81, %dma_start3A_82] : memref<640x64xf32, #tpu.memory_space<vmem>> -> memref<128x64xf32, #tpu.memory_space<vmem>>
    %dma_start3A_84 = arith.constant 256 : i32
    %dma_start3A_85 = tpu.memref_slice %arg6[%dma_start3A_84] : memref<640xi32, #tpu.memory_space<vmem>> -> memref<128xi32, #tpu.memory_space<vmem>>
    %dma_start3A_86 = arith.constant 0 : i32
    %dma_start3A_87 = arith.constant 0 : i32
    %dma_start3A_88 = tpu.memref_slice %arg2[%dma_start3A_86, %dma_start3A_87] : memref<100000x64xf32, #tpu.memory_space<hbm>> -> memref<100000x64xf32, #tpu.memory_space<hbm>>
    tpu.enqueue_indirect_dma source(%dma_start3A_88 : memref<100000x64xf32, #tpu.memory_space<hbm>>) target(%dma_start3A_83 : memref<128x64xf32, #tpu.memory_space<vmem>>) offsets(%dma_start3A_85 : memref<128xi32, #tpu.memory_space<vmem>>) semaphore(%arg16 : memref<!tpu.dma_semaphore, #tpu.memory_space<semaphore_mem>>)
    %dma_start3A_89 = arith.constant 384 : i32
    %dma_start3A_90 = arith.constant 0 : i32
    %dma_start3A_91 = tpu.memref_slice %arg10[%dma_start3A_89, %dma_start3A_90] : memref<640x64xf32, #tpu.memory_space<vmem>> -> memref<128x64xf32, #tpu.memory_space<vmem>>
    %dma_start3A_92 = arith.constant 384 : i32
    %dma_start3A_93 = tpu.memref_slice %arg6[%dma_start3A_92] : memref<640xi32, #tpu.memory_space<vmem>> -> memref<128xi32, #tpu.memory_space<vmem>>
    %dma_start3A_94 = arith.constant 0 : i32
    %dma_start3A_95 = arith.constant 0 : i32
    %dma_start3A_96 = tpu.memref_slice %arg2[%dma_start3A_94, %dma_start3A_95] : memref<100000x64xf32, #tpu.memory_space<hbm>> -> memref<100000x64xf32, #tpu.memory_space<hbm>>
    tpu.enqueue_indirect_dma source(%dma_start3A_96 : memref<100000x64xf32, #tpu.memory_space<hbm>>) target(%dma_start3A_91 : memref<128x64xf32, #tpu.memory_space<vmem>>) offsets(%dma_start3A_93 : memref<128xi32, #tpu.memory_space<vmem>>) semaphore(%arg16 : memref<!tpu.dma_semaphore, #tpu.memory_space<semaphore_mem>>)
    %dma_start3A_97 = arith.constant 512 : i32
    %dma_start3A_98 = arith.constant 0 : i32
    %dma_start3A_99 = tpu.memref_slice %arg10[%dma_start3A_97, %dma_start3A_98] : memref<640x64xf32, #tpu.memory_space<vmem>> -> memref<128x64xf32, #tpu.memory_space<vmem>>
    %dma_start3A_100 = arith.constant 512 : i32
    %dma_start3A_101 = tpu.memref_slice %arg6[%dma_start3A_100] : memref<640xi32, #tpu.memory_space<vmem>> -> memref<128xi32, #tpu.memory_space<vmem>>
    %dma_start3A_102 = arith.constant 0 : i32
    %dma_start3A_103 = arith.constant 0 : i32
    %dma_start3A_104 = tpu.memref_slice %arg2[%dma_start3A_102, %dma_start3A_103] : memref<100000x64xf32, #tpu.memory_space<hbm>> -> memref<100000x64xf32, #tpu.memory_space<hbm>>
    tpu.enqueue_indirect_dma source(%dma_start3A_104 : memref<100000x64xf32, #tpu.memory_space<hbm>>) target(%dma_start3A_99 : memref<128x64xf32, #tpu.memory_space<vmem>>) offsets(%dma_start3A_101 : memref<128xi32, #tpu.memory_space<vmem>>) semaphore(%arg16 : memref<!tpu.dma_semaphore, #tpu.memory_space<semaphore_mem>>)
    %dma_wait3A_105 = arith.constant 0 : i32
    %dma_wait3A_106 = arith.constant 0 : i32
    %dma_wait3A_107 = tpu.memref_slice %arg9[%dma_wait3A_105, %dma_wait3A_106] : memref<640x64xf32, #tpu.memory_space<vmem>> -> memref<128x64xf32, #tpu.memory_space<vmem>>
    %dma_wait3A_108 = arith.constant 0 : i32
    %dma_wait3A_109 = tpu.memref_slice %arg5[%dma_wait3A_108] : memref<640xi32, #tpu.memory_space<vmem>> -> memref<128xi32, #tpu.memory_space<vmem>>
    %dma_wait3A_110 = arith.constant 0 : i32
    %dma_wait3A_111 = arith.constant 0 : i32
    %dma_wait3A_112 = tpu.memref_slice %arg2[%dma_wait3A_110, %dma_wait3A_111] : memref<100000x64xf32, #tpu.memory_space<hbm>> -> memref<100000x64xf32, #tpu.memory_space<hbm>>
    tpu.wait_indirect_dma semaphore(%arg15 : memref<!tpu.dma_semaphore, #tpu.memory_space<semaphore_mem>>) src(%dma_wait3A_112 : memref<100000x64xf32, #tpu.memory_space<hbm>>) dst(%dma_wait3A_107 : memref<128x64xf32, #tpu.memory_space<vmem>>)
    %dma_wait3A_113 = arith.constant 128 : i32
    %dma_wait3A_114 = arith.constant 0 : i32
    %dma_wait3A_115 = tpu.memref_slice %arg9[%dma_wait3A_113, %dma_wait3A_114] : memref<640x64xf32, #tpu.memory_space<vmem>> -> memref<128x64xf32, #tpu.memory_space<vmem>>
    %dma_wait3A_116 = arith.constant 128 : i32
    %dma_wait3A_117 = tpu.memref_slice %arg5[%dma_wait3A_116] : memref<640xi32, #tpu.memory_space<vmem>> -> memref<128xi32, #tpu.memory_space<vmem>>
    %dma_wait3A_118 = arith.constant 0 : i32
    %dma_wait3A_119 = arith.constant 0 : i32
    %dma_wait3A_120 = tpu.memref_slice %arg2[%dma_wait3A_118, %dma_wait3A_119] : memref<100000x64xf32, #tpu.memory_space<hbm>> -> memref<100000x64xf32, #tpu.memory_space<hbm>>
    tpu.wait_indirect_dma semaphore(%arg15 : memref<!tpu.dma_semaphore, #tpu.memory_space<semaphore_mem>>) src(%dma_wait3A_120 : memref<100000x64xf32, #tpu.memory_space<hbm>>) dst(%dma_wait3A_115 : memref<128x64xf32, #tpu.memory_space<vmem>>)
    %dma_wait3A_121 = arith.constant 256 : i32
    %dma_wait3A_122 = arith.constant 0 : i32
    %dma_wait3A_123 = tpu.memref_slice %arg9[%dma_wait3A_121, %dma_wait3A_122] : memref<640x64xf32, #tpu.memory_space<vmem>> -> memref<128x64xf32, #tpu.memory_space<vmem>>
    %dma_wait3A_124 = arith.constant 256 : i32
    %dma_wait3A_125 = tpu.memref_slice %arg5[%dma_wait3A_124] : memref<640xi32, #tpu.memory_space<vmem>> -> memref<128xi32, #tpu.memory_space<vmem>>
    %dma_wait3A_126 = arith.constant 0 : i32
    %dma_wait3A_127 = arith.constant 0 : i32
    %dma_wait3A_128 = tpu.memref_slice %arg2[%dma_wait3A_126, %dma_wait3A_127] : memref<100000x64xf32, #tpu.memory_space<hbm>> -> memref<100000x64xf32, #tpu.memory_space<hbm>>
    tpu.wait_indirect_dma semaphore(%arg15 : memref<!tpu.dma_semaphore, #tpu.memory_space<semaphore_mem>>) src(%dma_wait3A_128 : memref<100000x64xf32, #tpu.memory_space<hbm>>) dst(%dma_wait3A_123 : memref<128x64xf32, #tpu.memory_space<vmem>>)
    %dma_wait3A_129 = arith.constant 384 : i32
    %dma_wait3A_130 = arith.constant 0 : i32
    %dma_wait3A_131 = tpu.memref_slice %arg9[%dma_wait3A_129, %dma_wait3A_130] : memref<640x64xf32, #tpu.memory_space<vmem>> -> memref<128x64xf32, #tpu.memory_space<vmem>>
    %dma_wait3A_132 = arith.constant 384 : i32
    %dma_wait3A_133 = tpu.memref_slice %arg5[%dma_wait3A_132] : memref<640xi32, #tpu.memory_space<vmem>> -> memref<128xi32, #tpu.memory_space<vmem>>
    %dma_wait3A_134 = arith.constant 0 : i32
    %dma_wait3A_135 = arith.constant 0 : i32
    %dma_wait3A_136 = tpu.memref_slice %arg2[%dma_wait3A_134, %dma_wait3A_135] : memref<100000x64xf32, #tpu.memory_space<hbm>> -> memref<100000x64xf32, #tpu.memory_space<hbm>>
    tpu.wait_indirect_dma semaphore(%arg15 : memref<!tpu.dma_semaphore, #tpu.memory_space<semaphore_mem>>) src(%dma_wait3A_136 : memref<100000x64xf32, #tpu.memory_space<hbm>>) dst(%dma_wait3A_131 : memref<128x64xf32, #tpu.memory_space<vmem>>)
    %dma_wait3A_137 = arith.constant 512 : i32
    %dma_wait3A_138 = arith.constant 0 : i32
    %dma_wait3A_139 = tpu.memref_slice %arg9[%dma_wait3A_137, %dma_wait3A_138] : memref<640x64xf32, #tpu.memory_space<vmem>> -> memref<128x64xf32, #tpu.memory_space<vmem>>
    %dma_wait3A_140 = arith.constant 512 : i32
    %dma_wait3A_141 = tpu.memref_slice %arg5[%dma_wait3A_140] : memref<640xi32, #tpu.memory_space<vmem>> -> memref<128xi32, #tpu.memory_space<vmem>>
    %dma_wait3A_142 = arith.constant 0 : i32
    %dma_wait3A_143 = arith.constant 0 : i32
    %dma_wait3A_144 = tpu.memref_slice %arg2[%dma_wait3A_142, %dma_wait3A_143] : memref<100000x64xf32, #tpu.memory_space<hbm>> -> memref<100000x64xf32, #tpu.memory_space<hbm>>
    tpu.wait_indirect_dma semaphore(%arg15 : memref<!tpu.dma_semaphore, #tpu.memory_space<semaphore_mem>>) src(%dma_wait3A_144 : memref<100000x64xf32, #tpu.memory_space<hbm>>) dst(%dma_wait3A_139 : memref<128x64xf32, #tpu.memory_space<vmem>>)
    %add3A_145 = arith.constant 2560 : i32
    %add3A_146 = arith.addi %mul3A_2, %add3A_145 : i32
    %dma_start3A_147 = tpu.memref_slice %arg3[%add3A_146] : memref<819200xi32, #tpu.memory_space<hbm>> -> memref<640xi32, #tpu.memory_space<hbm>>
    %dma_start3A_148 = tpu.memref_slice %arg3[%add3A_146] : memref<819200xi32, #tpu.memory_space<hbm>> -> memref<640xi32, #tpu.memory_space<hbm>>
    tpu.enqueue_dma source(%dma_start3A_148 : memref<640xi32, #tpu.memory_space<hbm>>) target(%arg5 : memref<640xi32, #tpu.memory_space<vmem>>) target_semaphore(%arg11 : memref<!tpu.dma_semaphore, #tpu.memory_space<semaphore_mem>>)
    %add3A_149 = arith.constant 0 : i32
    %add3A_150 = arith.addi %mul3A_2, %add3A_149 : i32
    %dma_start3A_151 = arith.constant 0 : i32
    %dma_start3A_152 = tpu.memref_slice %arg4[%add3A_150, %dma_start3A_151] : memref<819200x64xf32, #tpu.memory_space<hbm>> -> memref<640x64xf32, #tpu.memory_space<hbm>>
    %dma_start3A_153 = arith.constant 0 : i32
    %dma_start3A_154 = tpu.memref_slice %arg4[%add3A_150, %dma_start3A_153] : memref<819200x64xf32, #tpu.memory_space<hbm>> -> memref<640x64xf32, #tpu.memory_space<hbm>>
    tpu.enqueue_dma source(%arg9 : memref<640x64xf32, #tpu.memory_space<vmem>>) target(%dma_start3A_154 : memref<640x64xf32, #tpu.memory_space<hbm>>) target_semaphore(%arg17 : memref<!tpu.dma_semaphore, #tpu.memory_space<semaphore_mem>>)
    %dma_wait3A_155 = arith.constant 0 : i32
    %dma_wait3A_156 = tpu.memref_slice %arg3[%dma_wait3A_155] : memref<819200xi32, #tpu.memory_space<hbm>> -> memref<640xi32, #tpu.memory_space<hbm>>
    %dma_wait3A_157 = arith.constant 0 : i32
    %dma_wait3A_158 = tpu.memref_slice %arg3[%dma_wait3A_157] : memref<819200xi32, #tpu.memory_space<hbm>> -> memref<640xi32, #tpu.memory_space<hbm>>
    tpu.wait_dma2 semaphore(%arg13 : memref<!tpu.dma_semaphore, #tpu.memory_space<semaphore_mem>>) src(%dma_wait3A_158 : memref<640xi32, #tpu.memory_space<hbm>>) dst(%arg7 : memref<640xi32, #tpu.memory_space<vmem>>)
    %dma_wait3A_159 = arith.constant 0 : i32
    %dma_wait3A_160 = arith.constant 0 : i32
    %dma_wait3A_161 = tpu.memref_slice %arg4[%dma_wait3A_159, %dma_wait3A_160] : memref<819200x64xf32, #tpu.memory_space<hbm>> -> memref<640x64xf32, #tpu.memory_space<hbm>>
    %dma_wait3A_162 = arith.constant 0 : i32
    %dma_wait3A_163 = arith.constant 0 : i32
    %dma_wait3A_164 = tpu.memref_slice %arg4[%dma_wait3A_162, %dma_wait3A_163] : memref<819200x64xf32, #tpu.memory_space<hbm>> -> memref<640x64xf32, #tpu.memory_space<hbm>>
    tpu.wait_dma2 semaphore(%arg17 : memref<!tpu.dma_semaphore, #tpu.memory_space<semaphore_mem>>) src(%arg9 : memref<640x64xf32, #tpu.memory_space<vmem>>) dst(%dma_wait3A_164 : memref<640x64xf32, #tpu.memory_space<hbm>>)
    %dma_start3A_165 = arith.constant 0 : i32
    %dma_start3A_166 = arith.constant 0 : i32
    %dma_start3A_167 = tpu.memref_slice %arg9[%dma_start3A_165, %dma_start3A_166] : memref<640x64xf32, #tpu.memory_space<vmem>> -> memref<128x64xf32, #tpu.memory_space<vmem>>
    %dma_start3A_168 = arith.constant 0 : i32
    %dma_start3A_169 = tpu.memref_slice %arg7[%dma_start3A_168] : memref<640xi32, #tpu.memory_space<vmem>> -> memref<128xi32, #tpu.memory_space<vmem>>
    %dma_start3A_170 = arith.constant 0 : i32
    %dma_start3A_171 = arith.constant 0 : i32
    %dma_start3A_172 = tpu.memref_slice %arg2[%dma_start3A_170, %dma_start3A_171] : memref<100000x64xf32, #tpu.memory_space<hbm>> -> memref<100000x64xf32, #tpu.memory_space<hbm>>
    tpu.enqueue_indirect_dma source(%dma_start3A_172 : memref<100000x64xf32, #tpu.memory_space<hbm>>) target(%dma_start3A_167 : memref<128x64xf32, #tpu.memory_space<vmem>>) offsets(%dma_start3A_169 : memref<128xi32, #tpu.memory_space<vmem>>) semaphore(%arg15 : memref<!tpu.dma_semaphore, #tpu.memory_space<semaphore_mem>>)
    %dma_start3A_173 = arith.constant 128 : i32
    %dma_start3A_174 = arith.constant 0 : i32
    %dma_start3A_175 = tpu.memref_slice %arg9[%dma_start3A_173, %dma_start3A_174] : memref<640x64xf32, #tpu.memory_space<vmem>> -> memref<128x64xf32, #tpu.memory_space<vmem>>
    %dma_start3A_176 = arith.constant 128 : i32
    %dma_start3A_177 = tpu.memref_slice %arg7[%dma_start3A_176] : memref<640xi32, #tpu.memory_space<vmem>> -> memref<128xi32, #tpu.memory_space<vmem>>
    %dma_start3A_178 = arith.constant 0 : i32
    %dma_start3A_179 = arith.constant 0 : i32
    %dma_start3A_180 = tpu.memref_slice %arg2[%dma_start3A_178, %dma_start3A_179] : memref<100000x64xf32, #tpu.memory_space<hbm>> -> memref<100000x64xf32, #tpu.memory_space<hbm>>
    tpu.enqueue_indirect_dma source(%dma_start3A_180 : memref<100000x64xf32, #tpu.memory_space<hbm>>) target(%dma_start3A_175 : memref<128x64xf32, #tpu.memory_space<vmem>>) offsets(%dma_start3A_177 : memref<128xi32, #tpu.memory_space<vmem>>) semaphore(%arg15 : memref<!tpu.dma_semaphore, #tpu.memory_space<semaphore_mem>>)
    %dma_start3A_181 = arith.constant 256 : i32
    %dma_start3A_182 = arith.constant 0 : i32
    %dma_start3A_183 = tpu.memref_slice %arg9[%dma_start3A_181, %dma_start3A_182] : memref<640x64xf32, #tpu.memory_space<vmem>> -> memref<128x64xf32, #tpu.memory_space<vmem>>
    %dma_start3A_184 = arith.constant 256 : i32
    %dma_start3A_185 = tpu.memref_slice %arg7[%dma_start3A_184] : memref<640xi32, #tpu.memory_space<vmem>> -> memref<128xi32, #tpu.memory_space<vmem>>
    %dma_start3A_186 = arith.constant 0 : i32
    %dma_start3A_187 = arith.constant 0 : i32
    %dma_start3A_188 = tpu.memref_slice %arg2[%dma_start3A_186, %dma_start3A_187] : memref<100000x64xf32, #tpu.memory_space<hbm>> -> memref<100000x64xf32, #tpu.memory_space<hbm>>
    tpu.enqueue_indirect_dma source(%dma_start3A_188 : memref<100000x64xf32, #tpu.memory_space<hbm>>) target(%dma_start3A_183 : memref<128x64xf32, #tpu.memory_space<vmem>>) offsets(%dma_start3A_185 : memref<128xi32, #tpu.memory_space<vmem>>) semaphore(%arg15 : memref<!tpu.dma_semaphore, #tpu.memory_space<semaphore_mem>>)
    %dma_start3A_189 = arith.constant 384 : i32
    %dma_start3A_190 = arith.constant 0 : i32
    %dma_start3A_191 = tpu.memref_slice %arg9[%dma_start3A_189, %dma_start3A_190] : memref<640x64xf32, #tpu.memory_space<vmem>> -> memref<128x64xf32, #tpu.memory_space<vmem>>
    %dma_start3A_192 = arith.constant 384 : i32
    %dma_start3A_193 = tpu.memref_slice %arg7[%dma_start3A_192] : memref<640xi32, #tpu.memory_space<vmem>> -> memref<128xi32, #tpu.memory_space<vmem>>
    %dma_start3A_194 = arith.constant 0 : i32
    %dma_start3A_195 = arith.constant 0 : i32
    %dma_start3A_196 = tpu.memref_slice %arg2[%dma_start3A_194, %dma_start3A_195] : memref<100000x64xf32, #tpu.memory_space<hbm>> -> memref<100000x64xf32, #tpu.memory_space<hbm>>
    tpu.enqueue_indirect_dma source(%dma_start3A_196 : memref<100000x64xf32, #tpu.memory_space<hbm>>) target(%dma_start3A_191 : memref<128x64xf32, #tpu.memory_space<vmem>>) offsets(%dma_start3A_193 : memref<128xi32, #tpu.memory_space<vmem>>) semaphore(%arg15 : memref<!tpu.dma_semaphore, #tpu.memory_space<semaphore_mem>>)
    %dma_start3A_197 = arith.constant 512 : i32
    %dma_start3A_198 = arith.constant 0 : i32
    %dma_start3A_199 = tpu.memref_slice %arg9[%dma_start3A_197, %dma_start3A_198] : memref<640x64xf32, #tpu.memory_space<vmem>> -> memref<128x64xf32, #tpu.memory_space<vmem>>
    %dma_start3A_200 = arith.constant 512 : i32
    %dma_start3A_201 = tpu.memref_slice %arg7[%dma_start3A_200] : memref<640xi32, #tpu.memory_space<vmem>> -> memref<128xi32, #tpu.memory_space<vmem>>
    %dma_start3A_202 = arith.constant 0 : i32
    %dma_start3A_203 = arith.constant 0 : i32
    %dma_start3A_204 = tpu.memref_slice %arg2[%dma_start3A_202, %dma_start3A_203] : memref<100000x64xf32, #tpu.memory_space<hbm>> -> memref<100000x64xf32, #tpu.memory_space<hbm>>
    tpu.enqueue_indirect_dma source(%dma_start3A_204 : memref<100000x64xf32, #tpu.memory_space<hbm>>) target(%dma_start3A_199 : memref<128x64xf32, #tpu.memory_space<vmem>>) offsets(%dma_start3A_201 : memref<128xi32, #tpu.memory_space<vmem>>) semaphore(%arg15 : memref<!tpu.dma_semaphore, #tpu.memory_space<semaphore_mem>>)
    %dma_wait3A_205 = arith.constant 0 : i32
    %dma_wait3A_206 = arith.constant 0 : i32
    %dma_wait3A_207 = tpu.memref_slice %arg10[%dma_wait3A_205, %dma_wait3A_206] : memref<640x64xf32, #tpu.memory_space<vmem>> -> memref<128x64xf32, #tpu.memory_space<vmem>>
    %dma_wait3A_208 = arith.constant 0 : i32
    %dma_wait3A_209 = tpu.memref_slice %arg6[%dma_wait3A_208] : memref<640xi32, #tpu.memory_space<vmem>> -> memref<128xi32, #tpu.memory_space<vmem>>
    %dma_wait3A_210 = arith.constant 0 : i32
    %dma_wait3A_211 = arith.constant 0 : i32
    %dma_wait3A_212 = tpu.memref_slice %arg2[%dma_wait3A_210, %dma_wait3A_211] : memref<100000x64xf32, #tpu.memory_space<hbm>> -> memref<100000x64xf32, #tpu.memory_space<hbm>>
    tpu.wait_indirect_dma semaphore(%arg16 : memref<!tpu.dma_semaphore, #tpu.memory_space<semaphore_mem>>) src(%dma_wait3A_212 : memref<100000x64xf32, #tpu.memory_space<hbm>>) dst(%dma_wait3A_207 : memref<128x64xf32, #tpu.memory_space<vmem>>)
    %dma_wait3A_213 = arith.constant 128 : i32
    %dma_wait3A_214 = arith.constant 0 : i32
    %dma_wait3A_215 = tpu.memref_slice %arg10[%dma_wait3A_213, %dma_wait3A_214] : memref<640x64xf32, #tpu.memory_space<vmem>> -> memref<128x64xf32, #tpu.memory_space<vmem>>
    %dma_wait3A_216 = arith.constant 128 : i32
    %dma_wait3A_217 = tpu.memref_slice %arg6[%dma_wait3A_216] : memref<640xi32, #tpu.memory_space<vmem>> -> memref<128xi32, #tpu.memory_space<vmem>>
    %dma_wait3A_218 = arith.constant 0 : i32
    %dma_wait3A_219 = arith.constant 0 : i32
    %dma_wait3A_220 = tpu.memref_slice %arg2[%dma_wait3A_218, %dma_wait3A_219] : memref<100000x64xf32, #tpu.memory_space<hbm>> -> memref<100000x64xf32, #tpu.memory_space<hbm>>
    tpu.wait_indirect_dma semaphore(%arg16 : memref<!tpu.dma_semaphore, #tpu.memory_space<semaphore_mem>>) src(%dma_wait3A_220 : memref<100000x64xf32, #tpu.memory_space<hbm>>) dst(%dma_wait3A_215 : memref<128x64xf32, #tpu.memory_space<vmem>>)
    %dma_wait3A_221 = arith.constant 256 : i32
    %dma_wait3A_222 = arith.constant 0 : i32
    %dma_wait3A_223 = tpu.memref_slice %arg10[%dma_wait3A_221, %dma_wait3A_222] : memref<640x64xf32, #tpu.memory_space<vmem>> -> memref<128x64xf32, #tpu.memory_space<vmem>>
    %dma_wait3A_224 = arith.constant 256 : i32
    %dma_wait3A_225 = tpu.memref_slice %arg6[%dma_wait3A_224] : memref<640xi32, #tpu.memory_space<vmem>> -> memref<128xi32, #tpu.memory_space<vmem>>
    %dma_wait3A_226 = arith.constant 0 : i32
    %dma_wait3A_227 = arith.constant 0 : i32
    %dma_wait3A_228 = tpu.memref_slice %arg2[%dma_wait3A_226, %dma_wait3A_227] : memref<100000x64xf32, #tpu.memory_space<hbm>> -> memref<100000x64xf32, #tpu.memory_space<hbm>>
    tpu.wait_indirect_dma semaphore(%arg16 : memref<!tpu.dma_semaphore, #tpu.memory_space<semaphore_mem>>) src(%dma_wait3A_228 : memref<100000x64xf32, #tpu.memory_space<hbm>>) dst(%dma_wait3A_223 : memref<128x64xf32, #tpu.memory_space<vmem>>)
    %dma_wait3A_229 = arith.constant 384 : i32
    %dma_wait3A_230 = arith.constant 0 : i32
    %dma_wait3A_231 = tpu.memref_slice %arg10[%dma_wait3A_229, %dma_wait3A_230] : memref<640x64xf32, #tpu.memory_space<vmem>> -> memref<128x64xf32, #tpu.memory_space<vmem>>
    %dma_wait3A_232 = arith.constant 384 : i32
    %dma_wait3A_233 = tpu.memref_slice %arg6[%dma_wait3A_232] : memref<640xi32, #tpu.memory_space<vmem>> -> memref<128xi32, #tpu.memory_space<vmem>>
    %dma_wait3A_234 = arith.constant 0 : i32
    %dma_wait3A_235 = arith.constant 0 : i32
    %dma_wait3A_236 = tpu.memref_slice %arg2[%dma_wait3A_234, %dma_wait3A_235] : memref<100000x64xf32, #tpu.memory_space<hbm>> -> memref<100000x64xf32, #tpu.memory_space<hbm>>
    tpu.wait_indirect_dma semaphore(%arg16 : memref<!tpu.dma_semaphore, #tpu.memory_space<semaphore_mem>>) src(%dma_wait3A_236 : memref<100000x64xf32, #tpu.memory_space<hbm>>) dst(%dma_wait3A_231 : memref<128x64xf32, #tpu.memory_space<vmem>>)
    %dma_wait3A_237 = arith.constant 512 : i32
    %dma_wait3A_238 = arith.constant 0 : i32
    %dma_wait3A_239 = tpu.memref_slice %arg10[%dma_wait3A_237, %dma_wait3A_238] : memref<640x64xf32, #tpu.memory_space<vmem>> -> memref<128x64xf32, #tpu.memory_space<vmem>>
    %dma_wait3A_240 = arith.constant 512 : i32
    %dma_wait3A_241 = tpu.memref_slice %arg6[%dma_wait3A_240] : memref<640xi32, #tpu.memory_space<vmem>> -> memref<128xi32, #tpu.memory_space<vmem>>
    %dma_wait3A_242 = arith.constant 0 : i32
    %dma_wait3A_243 = arith.constant 0 : i32
    %dma_wait3A_244 = tpu.memref_slice %arg2[%dma_wait3A_242, %dma_wait3A_243] : memref<100000x64xf32, #tpu.memory_space<hbm>> -> memref<100000x64xf32, #tpu.memory_space<hbm>>
    tpu.wait_indirect_dma semaphore(%arg16 : memref<!tpu.dma_semaphore, #tpu.memory_space<semaphore_mem>>) src(%dma_wait3A_244 : memref<100000x64xf32, #tpu.memory_space<hbm>>) dst(%dma_wait3A_239 : memref<128x64xf32, #tpu.memory_space<vmem>>)
    %add3A_245 = arith.constant 3200 : i32
    %add3A_246 = arith.addi %mul3A_2, %add3A_245 : i32
    %dma_start3A_247 = tpu.memref_slice %arg3[%add3A_246] : memref<819200xi32, #tpu.memory_space<hbm>> -> memref<640xi32, #tpu.memory_space<hbm>>
    %dma_start3A_248 = tpu.memref_slice %arg3[%add3A_246] : memref<819200xi32, #tpu.memory_space<hbm>> -> memref<640xi32, #tpu.memory_space<hbm>>
    tpu.enqueue_dma source(%dma_start3A_248 : memref<640xi32, #tpu.memory_space<hbm>>) target(%arg6 : memref<640xi32, #tpu.memory_space<vmem>>) target_semaphore(%arg12 : memref<!tpu.dma_semaphore, #tpu.memory_space<semaphore_mem>>)
    %add3A_249 = arith.constant 640 : i32
    %add3A_250 = arith.addi %mul3A_2, %add3A_249 : i32
    %dma_start3A_251 = arith.constant 0 : i32
    %dma_start3A_252 = tpu.memref_slice %arg4[%add3A_250, %dma_start3A_251] : memref<819200x64xf32, #tpu.memory_space<hbm>> -> memref<640x64xf32, #tpu.memory_space<hbm>>
    %dma_start3A_253 = arith.constant 0 : i32
    %dma_start3A_254 = tpu.memref_slice %arg4[%add3A_250, %dma_start3A_253] : memref<819200x64xf32, #tpu.memory_space<hbm>> -> memref<640x64xf32, #tpu.memory_space<hbm>>
    tpu.enqueue_dma source(%arg10 : memref<640x64xf32, #tpu.memory_space<vmem>>) target(%dma_start3A_254 : memref<640x64xf32, #tpu.memory_space<hbm>>) target_semaphore(%arg18 : memref<!tpu.dma_semaphore, #tpu.memory_space<semaphore_mem>>)
    %dma_wait3A_255 = arith.constant 0 : i32
    %dma_wait3A_256 = tpu.memref_slice %arg3[%dma_wait3A_255] : memref<819200xi32, #tpu.memory_space<hbm>> -> memref<640xi32, #tpu.memory_space<hbm>>
    %dma_wait3A_257 = arith.constant 0 : i32
    %dma_wait3A_258 = tpu.memref_slice %arg3[%dma_wait3A_257] : memref<819200xi32, #tpu.memory_space<hbm>> -> memref<640xi32, #tpu.memory_space<hbm>>
    tpu.wait_dma2 semaphore(%arg14 : memref<!tpu.dma_semaphore, #tpu.memory_space<semaphore_mem>>) src(%dma_wait3A_258 : memref<640xi32, #tpu.memory_space<hbm>>) dst(%arg8 : memref<640xi32, #tpu.memory_space<vmem>>)
    %dma_wait3A_259 = arith.constant 0 : i32
    %dma_wait3A_260 = arith.constant 0 : i32
    %dma_wait3A_261 = tpu.memref_slice %arg4[%dma_wait3A_259, %dma_wait3A_260] : memref<819200x64xf32, #tpu.memory_space<hbm>> -> memref<640x64xf32, #tpu.memory_space<hbm>>
    %dma_wait3A_262 = arith.constant 0 : i32
    %dma_wait3A_263 = arith.constant 0 : i32
    %dma_wait3A_264 = tpu.memref_slice %arg4[%dma_wait3A_262, %dma_wait3A_263] : memref<819200x64xf32, #tpu.memory_space<hbm>> -> memref<640x64xf32, #tpu.memory_space<hbm>>
    tpu.wait_dma2 semaphore(%arg18 : memref<!tpu.dma_semaphore, #tpu.memory_space<semaphore_mem>>) src(%arg10 : memref<640x64xf32, #tpu.memory_space<vmem>>) dst(%dma_wait3A_264 : memref<640x64xf32, #tpu.memory_space<hbm>>)
    %dma_start3A_265 = arith.constant 0 : i32
    %dma_start3A_266 = arith.constant 0 : i32
    %dma_start3A_267 = tpu.memref_slice %arg10[%dma_start3A_265, %dma_start3A_266] : memref<640x64xf32, #tpu.memory_space<vmem>> -> memref<128x64xf32, #tpu.memory_space<vmem>>
    %dma_start3A_268 = arith.constant 0 : i32
    %dma_start3A_269 = tpu.memref_slice %arg8[%dma_start3A_268] : memref<640xi32, #tpu.memory_space<vmem>> -> memref<128xi32, #tpu.memory_space<vmem>>
    %dma_start3A_270 = arith.constant 0 : i32
    %dma_start3A_271 = arith.constant 0 : i32
    %dma_start3A_272 = tpu.memref_slice %arg2[%dma_start3A_270, %dma_start3A_271] : memref<100000x64xf32, #tpu.memory_space<hbm>> -> memref<100000x64xf32, #tpu.memory_space<hbm>>
    tpu.enqueue_indirect_dma source(%dma_start3A_272 : memref<100000x64xf32, #tpu.memory_space<hbm>>) target(%dma_start3A_267 : memref<128x64xf32, #tpu.memory_space<vmem>>) offsets(%dma_start3A_269 : memref<128xi32, #tpu.memory_space<vmem>>) semaphore(%arg16 : memref<!tpu.dma_semaphore, #tpu.memory_space<semaphore_mem>>)
    %dma_start3A_273 = arith.constant 128 : i32
    %dma_start3A_274 = arith.constant 0 : i32
    %dma_start3A_275 = tpu.memref_slice %arg10[%dma_start3A_273, %dma_start3A_274] : memref<640x64xf32, #tpu.memory_space<vmem>> -> memref<128x64xf32, #tpu.memory_space<vmem>>
    %dma_start3A_276 = arith.constant 128 : i32
    %dma_start3A_277 = tpu.memref_slice %arg8[%dma_start3A_276] : memref<640xi32, #tpu.memory_space<vmem>> -> memref<128xi32, #tpu.memory_space<vmem>>
    %dma_start3A_278 = arith.constant 0 : i32
    %dma_start3A_279 = arith.constant 0 : i32
    %dma_start3A_280 = tpu.memref_slice %arg2[%dma_start3A_278, %dma_start3A_279] : memref<100000x64xf32, #tpu.memory_space<hbm>> -> memref<100000x64xf32, #tpu.memory_space<hbm>>
    tpu.enqueue_indirect_dma source(%dma_start3A_280 : memref<100000x64xf32, #tpu.memory_space<hbm>>) target(%dma_start3A_275 : memref<128x64xf32, #tpu.memory_space<vmem>>) offsets(%dma_start3A_277 : memref<128xi32, #tpu.memory_space<vmem>>) semaphore(%arg16 : memref<!tpu.dma_semaphore, #tpu.memory_space<semaphore_mem>>)
    %dma_start3A_281 = arith.constant 256 : i32
    %dma_start3A_282 = arith.constant 0 : i32
    %dma_start3A_283 = tpu.memref_slice %arg10[%dma_start3A_281, %dma_start3A_282] : memref<640x64xf32, #tpu.memory_space<vmem>> -> memref<128x64xf32, #tpu.memory_space<vmem>>
    %dma_start3A_284 = arith.constant 256 : i32
    %dma_start3A_285 = tpu.memref_slice %arg8[%dma_start3A_284] : memref<640xi32, #tpu.memory_space<vmem>> -> memref<128xi32, #tpu.memory_space<vmem>>
    %dma_start3A_286 = arith.constant 0 : i32
    %dma_start3A_287 = arith.constant 0 : i32
    %dma_start3A_288 = tpu.memref_slice %arg2[%dma_start3A_286, %dma_start3A_287] : memref<100000x64xf32, #tpu.memory_space<hbm>> -> memref<100000x64xf32, #tpu.memory_space<hbm>>
    tpu.enqueue_indirect_dma source(%dma_start3A_288 : memref<100000x64xf32, #tpu.memory_space<hbm>>) target(%dma_start3A_283 : memref<128x64xf32, #tpu.memory_space<vmem>>) offsets(%dma_start3A_285 : memref<128xi32, #tpu.memory_space<vmem>>) semaphore(%arg16 : memref<!tpu.dma_semaphore, #tpu.memory_space<semaphore_mem>>)
    %dma_start3A_289 = arith.constant 384 : i32
    %dma_start3A_290 = arith.constant 0 : i32
    %dma_start3A_291 = tpu.memref_slice %arg10[%dma_start3A_289, %dma_start3A_290] : memref<640x64xf32, #tpu.memory_space<vmem>> -> memref<128x64xf32, #tpu.memory_space<vmem>>
    %dma_start3A_292 = arith.constant 384 : i32
    %dma_start3A_293 = tpu.memref_slice %arg8[%dma_start3A_292] : memref<640xi32, #tpu.memory_space<vmem>> -> memref<128xi32, #tpu.memory_space<vmem>>
    %dma_start3A_294 = arith.constant 0 : i32
    %dma_start3A_295 = arith.constant 0 : i32
    %dma_start3A_296 = tpu.memref_slice %arg2[%dma_start3A_294, %dma_start3A_295] : memref<100000x64xf32, #tpu.memory_space<hbm>> -> memref<100000x64xf32, #tpu.memory_space<hbm>>
    tpu.enqueue_indirect_dma source(%dma_start3A_296 : memref<100000x64xf32, #tpu.memory_space<hbm>>) target(%dma_start3A_291 : memref<128x64xf32, #tpu.memory_space<vmem>>) offsets(%dma_start3A_293 : memref<128xi32, #tpu.memory_space<vmem>>) semaphore(%arg16 : memref<!tpu.dma_semaphore, #tpu.memory_space<semaphore_mem>>)
    %dma_start3A_297 = arith.constant 512 : i32
    %dma_start3A_298 = arith.constant 0 : i32
    %dma_start3A_299 = tpu.memref_slice %arg10[%dma_start3A_297, %dma_start3A_298] : memref<640x64xf32, #tpu.memory_space<vmem>> -> memref<128x64xf32, #tpu.memory_space<vmem>>
    %dma_start3A_300 = arith.constant 512 : i32
    %dma_start3A_301 = tpu.memref_slice %arg8[%dma_start3A_300] : memref<640xi32, #tpu.memory_space<vmem>> -> memref<128xi32, #tpu.memory_space<vmem>>
    %dma_start3A_302 = arith.constant 0 : i32
    %dma_start3A_303 = arith.constant 0 : i32
    %dma_start3A_304 = tpu.memref_slice %arg2[%dma_start3A_302, %dma_start3A_303] : memref<100000x64xf32, #tpu.memory_space<hbm>> -> memref<100000x64xf32, #tpu.memory_space<hbm>>
    tpu.enqueue_indirect_dma source(%dma_start3A_304 : memref<100000x64xf32, #tpu.memory_space<hbm>>) target(%dma_start3A_299 : memref<128x64xf32, #tpu.memory_space<vmem>>) offsets(%dma_start3A_301 : memref<128xi32, #tpu.memory_space<vmem>>) semaphore(%arg16 : memref<!tpu.dma_semaphore, #tpu.memory_space<semaphore_mem>>)
    %dma_wait3A_305 = arith.constant 0 : i32
    %dma_wait3A_306 = arith.constant 0 : i32
    %dma_wait3A_307 = tpu.memref_slice %arg9[%dma_wait3A_305, %dma_wait3A_306] : memref<640x64xf32, #tpu.memory_space<vmem>> -> memref<128x64xf32, #tpu.memory_space<vmem>>
    %dma_wait3A_308 = arith.constant 0 : i32
    %dma_wait3A_309 = tpu.memref_slice %arg7[%dma_wait3A_308] : memref<640xi32, #tpu.memory_space<vmem>> -> memref<128xi32, #tpu.memory_space<vmem>>
    %dma_wait3A_310 = arith.constant 0 : i32
    %dma_wait3A_311 = arith.constant 0 : i32
    %dma_wait3A_312 = tpu.memref_slice %arg2[%dma_wait3A_310, %dma_wait3A_311] : memref<100000x64xf32, #tpu.memory_space<hbm>> -> memref<100000x64xf32, #tpu.memory_space<hbm>>
    tpu.wait_indirect_dma semaphore(%arg15 : memref<!tpu.dma_semaphore, #tpu.memory_space<semaphore_mem>>) src(%dma_wait3A_312 : memref<100000x64xf32, #tpu.memory_space<hbm>>) dst(%dma_wait3A_307 : memref<128x64xf32, #tpu.memory_space<vmem>>)
    %dma_wait3A_313 = arith.constant 128 : i32
    %dma_wait3A_314 = arith.constant 0 : i32
    %dma_wait3A_315 = tpu.memref_slice %arg9[%dma_wait3A_313, %dma_wait3A_314] : memref<640x64xf32, #tpu.memory_space<vmem>> -> memref<128x64xf32, #tpu.memory_space<vmem>>
    %dma_wait3A_316 = arith.constant 128 : i32
    %dma_wait3A_317 = tpu.memref_slice %arg7[%dma_wait3A_316] : memref<640xi32, #tpu.memory_space<vmem>> -> memref<128xi32, #tpu.memory_space<vmem>>
    %dma_wait3A_318 = arith.constant 0 : i32
    %dma_wait3A_319 = arith.constant 0 : i32
    %dma_wait3A_320 = tpu.memref_slice %arg2[%dma_wait3A_318, %dma_wait3A_319] : memref<100000x64xf32, #tpu.memory_space<hbm>> -> memref<100000x64xf32, #tpu.memory_space<hbm>>
    tpu.wait_indirect_dma semaphore(%arg15 : memref<!tpu.dma_semaphore, #tpu.memory_space<semaphore_mem>>) src(%dma_wait3A_320 : memref<100000x64xf32, #tpu.memory_space<hbm>>) dst(%dma_wait3A_315 : memref<128x64xf32, #tpu.memory_space<vmem>>)
    %dma_wait3A_321 = arith.constant 256 : i32
    %dma_wait3A_322 = arith.constant 0 : i32
    %dma_wait3A_323 = tpu.memref_slice %arg9[%dma_wait3A_321, %dma_wait3A_322] : memref<640x64xf32, #tpu.memory_space<vmem>> -> memref<128x64xf32, #tpu.memory_space<vmem>>
    %dma_wait3A_324 = arith.constant 256 : i32
    %dma_wait3A_325 = tpu.memref_slice %arg7[%dma_wait3A_324] : memref<640xi32, #tpu.memory_space<vmem>> -> memref<128xi32, #tpu.memory_space<vmem>>
    %dma_wait3A_326 = arith.constant 0 : i32
    %dma_wait3A_327 = arith.constant 0 : i32
    %dma_wait3A_328 = tpu.memref_slice %arg2[%dma_wait3A_326, %dma_wait3A_327] : memref<100000x64xf32, #tpu.memory_space<hbm>> -> memref<100000x64xf32, #tpu.memory_space<hbm>>
    tpu.wait_indirect_dma semaphore(%arg15 : memref<!tpu.dma_semaphore, #tpu.memory_space<semaphore_mem>>) src(%dma_wait3A_328 : memref<100000x64xf32, #tpu.memory_space<hbm>>) dst(%dma_wait3A_323 : memref<128x64xf32, #tpu.memory_space<vmem>>)
    %dma_wait3A_329 = arith.constant 384 : i32
    %dma_wait3A_330 = arith.constant 0 : i32
    %dma_wait3A_331 = tpu.memref_slice %arg9[%dma_wait3A_329, %dma_wait3A_330] : memref<640x64xf32, #tpu.memory_space<vmem>> -> memref<128x64xf32, #tpu.memory_space<vmem>>
    %dma_wait3A_332 = arith.constant 384 : i32
    %dma_wait3A_333 = tpu.memref_slice %arg7[%dma_wait3A_332] : memref<640xi32, #tpu.memory_space<vmem>> -> memref<128xi32, #tpu.memory_space<vmem>>
    %dma_wait3A_334 = arith.constant 0 : i32
    %dma_wait3A_335 = arith.constant 0 : i32
    %dma_wait3A_336 = tpu.memref_slice %arg2[%dma_wait3A_334, %dma_wait3A_335] : memref<100000x64xf32, #tpu.memory_space<hbm>> -> memref<100000x64xf32, #tpu.memory_space<hbm>>
    tpu.wait_indirect_dma semaphore(%arg15 : memref<!tpu.dma_semaphore, #tpu.memory_space<semaphore_mem>>) src(%dma_wait3A_336 : memref<100000x64xf32, #tpu.memory_space<hbm>>) dst(%dma_wait3A_331 : memref<128x64xf32, #tpu.memory_space<vmem>>)
    %dma_wait3A_337 = arith.constant 512 : i32
    %dma_wait3A_338 = arith.constant 0 : i32
    %dma_wait3A_339 = tpu.memref_slice %arg9[%dma_wait3A_337, %dma_wait3A_338] : memref<640x64xf32, #tpu.memory_space<vmem>> -> memref<128x64xf32, #tpu.memory_space<vmem>>
    %dma_wait3A_340 = arith.constant 512 : i32
    %dma_wait3A_341 = tpu.memref_slice %arg7[%dma_wait3A_340] : memref<640xi32, #tpu.memory_space<vmem>> -> memref<128xi32, #tpu.memory_space<vmem>>
    %dma_wait3A_342 = arith.constant 0 : i32
    %dma_wait3A_343 = arith.constant 0 : i32
    %dma_wait3A_344 = tpu.memref_slice %arg2[%dma_wait3A_342, %dma_wait3A_343] : memref<100000x64xf32, #tpu.memory_space<hbm>> -> memref<100000x64xf32, #tpu.memory_space<hbm>>
    tpu.wait_indirect_dma semaphore(%arg15 : memref<!tpu.dma_semaphore, #tpu.memory_space<semaphore_mem>>) src(%dma_wait3A_344 : memref<100000x64xf32, #tpu.memory_space<hbm>>) dst(%dma_wait3A_339 : memref<128x64xf32, #tpu.memory_space<vmem>>)
    %add3A_345 = arith.constant 3840 : i32
    %add3A_346 = arith.addi %mul3A_2, %add3A_345 : i32
    %dma_start3A_347 = tpu.memref_slice %arg3[%add3A_346] : memref<819200xi32, #tpu.memory_space<hbm>> -> memref<640xi32, #tpu.memory_space<hbm>>
    %dma_start3A_348 = tpu.memref_slice %arg3[%add3A_346] : memref<819200xi32, #tpu.memory_space<hbm>> -> memref<640xi32, #tpu.memory_space<hbm>>
    tpu.enqueue_dma source(%dma_start3A_348 : memref<640xi32, #tpu.memory_space<hbm>>) target(%arg7 : memref<640xi32, #tpu.memory_space<vmem>>) target_semaphore(%arg13 : memref<!tpu.dma_semaphore, #tpu.memory_space<semaphore_mem>>)
    %add3A_349 = arith.constant 1280 : i32
    %add3A_350 = arith.addi %mul3A_2, %add3A_349 : i32
    %dma_start3A_351 = arith.constant 0 : i32
    %dma_start3A_352 = tpu.memref_slice %arg4[%add3A_350, %dma_start3A_351] : memref<819200x64xf32, #tpu.memory_space<hbm>> -> memref<640x64xf32, #tpu.memory_space<hbm>>
    %dma_start3A_353 = arith.constant 0 : i32
    %dma_start3A_354 = tpu.memref_slice %arg4[%add3A_350, %dma_start3A_353] : memref<819200x64xf32, #tpu.memory_space<hbm>> -> memref<640x64xf32, #tpu.memory_space<hbm>>
    tpu.enqueue_dma source(%arg9 : memref<640x64xf32, #tpu.memory_space<vmem>>) target(%dma_start3A_354 : memref<640x64xf32, #tpu.memory_space<hbm>>) target_semaphore(%arg17 : memref<!tpu.dma_semaphore, #tpu.memory_space<semaphore_mem>>)
    %scan3A = arith.constant 0 : i32
    %scan3A_355 = arith.constant 1 : i32
    %scan3A_356 = arith.constant 9 : i32
    %scan3A_357 = arith.addi %scan3A_355, %scan3A_356 : i32
    %scan3A_358 = arith.constant 1 : i32
    scf.for %scan3A_430 = %scan3A_355 to %scan3A_357 step %scan3A_358  : i32 {
      %mul3A_431 = arith.constant 4 : i32
      %mul3A_432 = arith.muli %mul3A_431, %scan3A_430 : i32
      %add3A_433 = arith.constant 0 : i32
      %add3A_434 = arith.addi %mul3A_432, %add3A_433 : i32
      %dma_wait3A_435 = arith.constant 0 : i32
      %dma_wait3A_436 = tpu.memref_slice %arg3[%dma_wait3A_435] : memref<819200xi32, #tpu.memory_space<hbm>> -> memref<640xi32, #tpu.memory_space<hbm>>
      %dma_wait3A_437 = arith.constant 0 : i32
      %dma_wait3A_438 = tpu.memref_slice %arg3[%dma_wait3A_437] : memref<819200xi32, #tpu.memory_space<hbm>> -> memref<640xi32, #tpu.memory_space<hbm>>
      tpu.wait_dma2 semaphore(%arg11 : memref<!tpu.dma_semaphore, #tpu.memory_space<semaphore_mem>>) src(%dma_wait3A_438 : memref<640xi32, #tpu.memory_space<hbm>>) dst(%arg5 : memref<640xi32, #tpu.memory_space<vmem>>)
      %dma_wait3A_439 = arith.constant 0 : i32
      %dma_wait3A_440 = arith.constant 0 : i32
      %dma_wait3A_441 = tpu.memref_slice %arg4[%dma_wait3A_439, %dma_wait3A_440] : memref<819200x64xf32, #tpu.memory_space<hbm>> -> memref<640x64xf32, #tpu.memory_space<hbm>>
      %dma_wait3A_442 = arith.constant 0 : i32
      %dma_wait3A_443 = arith.constant 0 : i32
      %dma_wait3A_444 = tpu.memref_slice %arg4[%dma_wait3A_442, %dma_wait3A_443] : memref<819200x64xf32, #tpu.memory_space<hbm>> -> memref<640x64xf32, #tpu.memory_space<hbm>>
      tpu.wait_dma2 semaphore(%arg17 : memref<!tpu.dma_semaphore, #tpu.memory_space<semaphore_mem>>) src(%arg9 : memref<640x64xf32, #tpu.memory_space<vmem>>) dst(%dma_wait3A_444 : memref<640x64xf32, #tpu.memory_space<hbm>>)
      %dma_start3A_445 = arith.constant 0 : i32
      %dma_start3A_446 = arith.constant 0 : i32
      %dma_start3A_447 = tpu.memref_slice %arg9[%dma_start3A_445, %dma_start3A_446] : memref<640x64xf32, #tpu.memory_space<vmem>> -> memref<128x64xf32, #tpu.memory_space<vmem>>
      %dma_start3A_448 = arith.constant 0 : i32
      %dma_start3A_449 = tpu.memref_slice %arg5[%dma_start3A_448] : memref<640xi32, #tpu.memory_space<vmem>> -> memref<128xi32, #tpu.memory_space<vmem>>
      %dma_start3A_450 = arith.constant 0 : i32
      %dma_start3A_451 = arith.constant 0 : i32
      %dma_start3A_452 = tpu.memref_slice %arg2[%dma_start3A_450, %dma_start3A_451] : memref<100000x64xf32, #tpu.memory_space<hbm>> -> memref<100000x64xf32, #tpu.memory_space<hbm>>
      tpu.enqueue_indirect_dma source(%dma_start3A_452 : memref<100000x64xf32, #tpu.memory_space<hbm>>) target(%dma_start3A_447 : memref<128x64xf32, #tpu.memory_space<vmem>>) offsets(%dma_start3A_449 : memref<128xi32, #tpu.memory_space<vmem>>) semaphore(%arg15 : memref<!tpu.dma_semaphore, #tpu.memory_space<semaphore_mem>>)
      %dma_start3A_453 = arith.constant 128 : i32
      %dma_start3A_454 = arith.constant 0 : i32
      %dma_start3A_455 = tpu.memref_slice %arg9[%dma_start3A_453, %dma_start3A_454] : memref<640x64xf32, #tpu.memory_space<vmem>> -> memref<128x64xf32, #tpu.memory_space<vmem>>
      %dma_start3A_456 = arith.constant 128 : i32
      %dma_start3A_457 = tpu.memref_slice %arg5[%dma_start3A_456] : memref<640xi32, #tpu.memory_space<vmem>> -> memref<128xi32, #tpu.memory_space<vmem>>
      %dma_start3A_458 = arith.constant 0 : i32
      %dma_start3A_459 = arith.constant 0 : i32
      %dma_start3A_460 = tpu.memref_slice %arg2[%dma_start3A_458, %dma_start3A_459] : memref<100000x64xf32, #tpu.memory_space<hbm>> -> memref<100000x64xf32, #tpu.memory_space<hbm>>
      tpu.enqueue_indirect_dma source(%dma_start3A_460 : memref<100000x64xf32, #tpu.memory_space<hbm>>) target(%dma_start3A_455 : memref<128x64xf32, #tpu.memory_space<vmem>>) offsets(%dma_start3A_457 : memref<128xi32, #tpu.memory_space<vmem>>) semaphore(%arg15 : memref<!tpu.dma_semaphore, #tpu.memory_space<semaphore_mem>>)
      %dma_start3A_461 = arith.constant 256 : i32
      %dma_start3A_462 = arith.constant 0 : i32
      %dma_start3A_463 = tpu.memref_slice %arg9[%dma_start3A_461, %dma_start3A_462] : memref<640x64xf32, #tpu.memory_space<vmem>> -> memref<128x64xf32, #tpu.memory_space<vmem>>
      %dma_start3A_464 = arith.constant 256 : i32
      %dma_start3A_465 = tpu.memref_slice %arg5[%dma_start3A_464] : memref<640xi32, #tpu.memory_space<vmem>> -> memref<128xi32, #tpu.memory_space<vmem>>
      %dma_start3A_466 = arith.constant 0 : i32
      %dma_start3A_467 = arith.constant 0 : i32
      %dma_start3A_468 = tpu.memref_slice %arg2[%dma_start3A_466, %dma_start3A_467] : memref<100000x64xf32, #tpu.memory_space<hbm>> -> memref<100000x64xf32, #tpu.memory_space<hbm>>
      tpu.enqueue_indirect_dma source(%dma_start3A_468 : memref<100000x64xf32, #tpu.memory_space<hbm>>) target(%dma_start3A_463 : memref<128x64xf32, #tpu.memory_space<vmem>>) offsets(%dma_start3A_465 : memref<128xi32, #tpu.memory_space<vmem>>) semaphore(%arg15 : memref<!tpu.dma_semaphore, #tpu.memory_space<semaphore_mem>>)
      %dma_start3A_469 = arith.constant 384 : i32
      %dma_start3A_470 = arith.constant 0 : i32
      %dma_start3A_471 = tpu.memref_slice %arg9[%dma_start3A_469, %dma_start3A_470] : memref<640x64xf32, #tpu.memory_space<vmem>> -> memref<128x64xf32, #tpu.memory_space<vmem>>
      %dma_start3A_472 = arith.constant 384 : i32
      %dma_start3A_473 = tpu.memref_slice %arg5[%dma_start3A_472] : memref<640xi32, #tpu.memory_space<vmem>> -> memref<128xi32, #tpu.memory_space<vmem>>
      %dma_start3A_474 = arith.constant 0 : i32
      %dma_start3A_475 = arith.constant 0 : i32
      %dma_start3A_476 = tpu.memref_slice %arg2[%dma_start3A_474, %dma_start3A_475] : memref<100000x64xf32, #tpu.memory_space<hbm>> -> memref<100000x64xf32, #tpu.memory_space<hbm>>
      tpu.enqueue_indirect_dma source(%dma_start3A_476 : memref<100000x64xf32, #tpu.memory_space<hbm>>) target(%dma_start3A_471 : memref<128x64xf32, #tpu.memory_space<vmem>>) offsets(%dma_start3A_473 : memref<128xi32, #tpu.memory_space<vmem>>) semaphore(%arg15 : memref<!tpu.dma_semaphore, #tpu.memory_space<semaphore_mem>>)
      %dma_start3A_477 = arith.constant 512 : i32
      %dma_start3A_478 = arith.constant 0 : i32
      %dma_start3A_479 = tpu.memref_slice %arg9[%dma_start3A_477, %dma_start3A_478] : memref<640x64xf32, #tpu.memory_space<vmem>> -> memref<128x64xf32, #tpu.memory_space<vmem>>
      %dma_start3A_480 = arith.constant 512 : i32
      %dma_start3A_481 = tpu.memref_slice %arg5[%dma_start3A_480] : memref<640xi32, #tpu.memory_space<vmem>> -> memref<128xi32, #tpu.memory_space<vmem>>
      %dma_start3A_482 = arith.constant 0 : i32
      %dma_start3A_483 = arith.constant 0 : i32
      %dma_start3A_484 = tpu.memref_slice %arg2[%dma_start3A_482, %dma_start3A_483] : memref<100000x64xf32, #tpu.memory_space<hbm>> -> memref<100000x64xf32, #tpu.memory_space<hbm>>
      tpu.enqueue_indirect_dma source(%dma_start3A_484 : memref<100000x64xf32, #tpu.memory_space<hbm>>) target(%dma_start3A_479 : memref<128x64xf32, #tpu.memory_space<vmem>>) offsets(%dma_start3A_481 : memref<128xi32, #tpu.memory_space<vmem>>) semaphore(%arg15 : memref<!tpu.dma_semaphore, #tpu.memory_space<semaphore_mem>>)
      %dma_wait3A_485 = arith.constant 0 : i32
      %dma_wait3A_486 = arith.constant 0 : i32
      %dma_wait3A_487 = tpu.memref_slice %arg10[%dma_wait3A_485, %dma_wait3A_486] : memref<640x64xf32, #tpu.memory_space<vmem>> -> memref<128x64xf32, #tpu.memory_space<vmem>>
      %dma_wait3A_488 = arith.constant 0 : i32
      %dma_wait3A_489 = tpu.memref_slice %arg8[%dma_wait3A_488] : memref<640xi32, #tpu.memory_space<vmem>> -> memref<128xi32, #tpu.memory_space<vmem>>
      %dma_wait3A_490 = arith.constant 0 : i32
      %dma_wait3A_491 = arith.constant 0 : i32
      %dma_wait3A_492 = tpu.memref_slice %arg2[%dma_wait3A_490, %dma_wait3A_491] : memref<100000x64xf32, #tpu.memory_space<hbm>> -> memref<100000x64xf32, #tpu.memory_space<hbm>>
      tpu.wait_indirect_dma semaphore(%arg16 : memref<!tpu.dma_semaphore, #tpu.memory_space<semaphore_mem>>) src(%dma_wait3A_492 : memref<100000x64xf32, #tpu.memory_space<hbm>>) dst(%dma_wait3A_487 : memref<128x64xf32, #tpu.memory_space<vmem>>)
      %dma_wait3A_493 = arith.constant 128 : i32
      %dma_wait3A_494 = arith.constant 0 : i32
      %dma_wait3A_495 = tpu.memref_slice %arg10[%dma_wait3A_493, %dma_wait3A_494] : memref<640x64xf32, #tpu.memory_space<vmem>> -> memref<128x64xf32, #tpu.memory_space<vmem>>
      %dma_wait3A_496 = arith.constant 128 : i32
      %dma_wait3A_497 = tpu.memref_slice %arg8[%dma_wait3A_496] : memref<640xi32, #tpu.memory_space<vmem>> -> memref<128xi32, #tpu.memory_space<vmem>>
      %dma_wait3A_498 = arith.constant 0 : i32
      %dma_wait3A_499 = arith.constant 0 : i32
      %dma_wait3A_500 = tpu.memref_slice %arg2[%dma_wait3A_498, %dma_wait3A_499] : memref<100000x64xf32, #tpu.memory_space<hbm>> -> memref<100000x64xf32, #tpu.memory_space<hbm>>
      tpu.wait_indirect_dma semaphore(%arg16 : memref<!tpu.dma_semaphore, #tpu.memory_space<semaphore_mem>>) src(%dma_wait3A_500 : memref<100000x64xf32, #tpu.memory_space<hbm>>) dst(%dma_wait3A_495 : memref<128x64xf32, #tpu.memory_space<vmem>>)
      %dma_wait3A_501 = arith.constant 256 : i32
      %dma_wait3A_502 = arith.constant 0 : i32
      %dma_wait3A_503 = tpu.memref_slice %arg10[%dma_wait3A_501, %dma_wait3A_502] : memref<640x64xf32, #tpu.memory_space<vmem>> -> memref<128x64xf32, #tpu.memory_space<vmem>>
      %dma_wait3A_504 = arith.constant 256 : i32
      %dma_wait3A_505 = tpu.memref_slice %arg8[%dma_wait3A_504] : memref<640xi32, #tpu.memory_space<vmem>> -> memref<128xi32, #tpu.memory_space<vmem>>
      %dma_wait3A_506 = arith.constant 0 : i32
      %dma_wait3A_507 = arith.constant 0 : i32
      %dma_wait3A_508 = tpu.memref_slice %arg2[%dma_wait3A_506, %dma_wait3A_507] : memref<100000x64xf32, #tpu.memory_space<hbm>> -> memref<100000x64xf32, #tpu.memory_space<hbm>>
      tpu.wait_indirect_dma semaphore(%arg16 : memref<!tpu.dma_semaphore, #tpu.memory_space<semaphore_mem>>) src(%dma_wait3A_508 : memref<100000x64xf32, #tpu.memory_space<hbm>>) dst(%dma_wait3A_503 : memref<128x64xf32, #tpu.memory_space<vmem>>)
      %dma_wait3A_509 = arith.constant 384 : i32
      %dma_wait3A_510 = arith.constant 0 : i32
      %dma_wait3A_511 = tpu.memref_slice %arg10[%dma_wait3A_509, %dma_wait3A_510] : memref<640x64xf32, #tpu.memory_space<vmem>> -> memref<128x64xf32, #tpu.memory_space<vmem>>
      %dma_wait3A_512 = arith.constant 384 : i32
      %dma_wait3A_513 = tpu.memref_slice %arg8[%dma_wait3A_512] : memref<640xi32, #tpu.memory_space<vmem>> -> memref<128xi32, #tpu.memory_space<vmem>>
      %dma_wait3A_514 = arith.constant 0 : i32
      %dma_wait3A_515 = arith.constant 0 : i32
      %dma_wait3A_516 = tpu.memref_slice %arg2[%dma_wait3A_514, %dma_wait3A_515] : memref<100000x64xf32, #tpu.memory_space<hbm>> -> memref<100000x64xf32, #tpu.memory_space<hbm>>
      tpu.wait_indirect_dma semaphore(%arg16 : memref<!tpu.dma_semaphore, #tpu.memory_space<semaphore_mem>>) src(%dma_wait3A_516 : memref<100000x64xf32, #tpu.memory_space<hbm>>) dst(%dma_wait3A_511 : memref<128x64xf32, #tpu.memory_space<vmem>>)
      %dma_wait3A_517 = arith.constant 512 : i32
      %dma_wait3A_518 = arith.constant 0 : i32
      %dma_wait3A_519 = tpu.memref_slice %arg10[%dma_wait3A_517, %dma_wait3A_518] : memref<640x64xf32, #tpu.memory_space<vmem>> -> memref<128x64xf32, #tpu.memory_space<vmem>>
      %dma_wait3A_520 = arith.constant 512 : i32
      %dma_wait3A_521 = tpu.memref_slice %arg8[%dma_wait3A_520] : memref<640xi32, #tpu.memory_space<vmem>> -> memref<128xi32, #tpu.memory_space<vmem>>
      %dma_wait3A_522 = arith.constant 0 : i32
      %dma_wait3A_523 = arith.constant 0 : i32
      %dma_wait3A_524 = tpu.memref_slice %arg2[%dma_wait3A_522, %dma_wait3A_523] : memref<100000x64xf32, #tpu.memory_space<hbm>> -> memref<100000x64xf32, #tpu.memory_space<hbm>>
      tpu.wait_indirect_dma semaphore(%arg16 : memref<!tpu.dma_semaphore, #tpu.memory_space<semaphore_mem>>) src(%dma_wait3A_524 : memref<100000x64xf32, #tpu.memory_space<hbm>>) dst(%dma_wait3A_519 : memref<128x64xf32, #tpu.memory_space<vmem>>)
      %add3A_525 = arith.constant 3 : i32
      %add3A_526 = arith.addi %add3A_434, %add3A_525 : i32
      %min3A = arith.constant 39 : i32
      %min3A_527 = arith.minsi %add3A_526, %min3A : i32
      %mul3A_528 = arith.constant 640 : i32
      %mul3A_529 = arith.muli %min3A_527, %mul3A_528 : i32
      %add3A_530 = arith.addi %mul3A_2, %mul3A_529 : i32
      %dma_start3A_531 = tpu.memref_slice %arg3[%add3A_530] : memref<819200xi32, #tpu.memory_space<hbm>> -> memref<640xi32, #tpu.memory_space<hbm>>
      %dma_start3A_532 = tpu.memref_slice %arg3[%add3A_530] : memref<819200xi32, #tpu.memory_space<hbm>> -> memref<640xi32, #tpu.memory_space<hbm>>
      tpu.enqueue_dma source(%dma_start3A_532 : memref<640xi32, #tpu.memory_space<hbm>>) target(%arg8 : memref<640xi32, #tpu.memory_space<vmem>>) target_semaphore(%arg14 : memref<!tpu.dma_semaphore, #tpu.memory_space<semaphore_mem>>)
      %sub3A = arith.constant 1 : i32
      %sub3A_533 = arith.subi %add3A_434, %sub3A : i32
      %mul3A_534 = arith.constant 640 : i32
      %mul3A_535 = arith.muli %sub3A_533, %mul3A_534 : i32
      %add3A_536 = arith.addi %mul3A_2, %mul3A_535 : i32
      %dma_start3A_537 = arith.constant 0 : i32
      %dma_start3A_538 = tpu.memref_slice %arg4[%add3A_536, %dma_start3A_537] : memref<819200x64xf32, #tpu.memory_space<hbm>> -> memref<640x64xf32, #tpu.memory_space<hbm>>
      %dma_start3A_539 = arith.constant 0 : i32
      %dma_start3A_540 = tpu.memref_slice %arg4[%add3A_536, %dma_start3A_539] : memref<819200x64xf32, #tpu.memory_space<hbm>> -> memref<640x64xf32, #tpu.memory_space<hbm>>
      tpu.enqueue_dma source(%arg10 : memref<640x64xf32, #tpu.memory_space<vmem>>) target(%dma_start3A_540 : memref<640x64xf32, #tpu.memory_space<hbm>>) target_semaphore(%arg18 : memref<!tpu.dma_semaphore, #tpu.memory_space<semaphore_mem>>)
      %add3A_541 = arith.constant 1 : i32
      %add3A_542 = arith.addi %mul3A_432, %add3A_541 : i32
      %dma_wait3A_543 = arith.constant 0 : i32
      %dma_wait3A_544 = tpu.memref_slice %arg3[%dma_wait3A_543] : memref<819200xi32, #tpu.memory_space<hbm>> -> memref<640xi32, #tpu.memory_space<hbm>>
      %dma_wait3A_545 = arith.constant 0 : i32
      %dma_wait3A_546 = tpu.memref_slice %arg3[%dma_wait3A_545] : memref<819200xi32, #tpu.memory_space<hbm>> -> memref<640xi32, #tpu.memory_space<hbm>>
      tpu.wait_dma2 semaphore(%arg12 : memref<!tpu.dma_semaphore, #tpu.memory_space<semaphore_mem>>) src(%dma_wait3A_546 : memref<640xi32, #tpu.memory_space<hbm>>) dst(%arg6 : memref<640xi32, #tpu.memory_space<vmem>>)
      %dma_wait3A_547 = arith.constant 0 : i32
      %dma_wait3A_548 = arith.constant 0 : i32
      %dma_wait3A_549 = tpu.memref_slice %arg4[%dma_wait3A_547, %dma_wait3A_548] : memref<819200x64xf32, #tpu.memory_space<hbm>> -> memref<640x64xf32, #tpu.memory_space<hbm>>
      %dma_wait3A_550 = arith.constant 0 : i32
      %dma_wait3A_551 = arith.constant 0 : i32
      %dma_wait3A_552 = tpu.memref_slice %arg4[%dma_wait3A_550, %dma_wait3A_551] : memref<819200x64xf32, #tpu.memory_space<hbm>> -> memref<640x64xf32, #tpu.memory_space<hbm>>
      tpu.wait_dma2 semaphore(%arg18 : memref<!tpu.dma_semaphore, #tpu.memory_space<semaphore_mem>>) src(%arg10 : memref<640x64xf32, #tpu.memory_space<vmem>>) dst(%dma_wait3A_552 : memref<640x64xf32, #tpu.memory_space<hbm>>)
      %dma_start3A_553 = arith.constant 0 : i32
      %dma_start3A_554 = arith.constant 0 : i32
      %dma_start3A_555 = tpu.memref_slice %arg10[%dma_start3A_553, %dma_start3A_554] : memref<640x64xf32, #tpu.memory_space<vmem>> -> memref<128x64xf32, #tpu.memory_space<vmem>>
      %dma_start3A_556 = arith.constant 0 : i32
      %dma_start3A_557 = tpu.memref_slice %arg6[%dma_start3A_556] : memref<640xi32, #tpu.memory_space<vmem>> -> memref<128xi32, #tpu.memory_space<vmem>>
      %dma_start3A_558 = arith.constant 0 : i32
      %dma_start3A_559 = arith.constant 0 : i32
      %dma_start3A_560 = tpu.memref_slice %arg2[%dma_start3A_558, %dma_start3A_559] : memref<100000x64xf32, #tpu.memory_space<hbm>> -> memref<100000x64xf32, #tpu.memory_space<hbm>>
      tpu.enqueue_indirect_dma source(%dma_start3A_560 : memref<100000x64xf32, #tpu.memory_space<hbm>>) target(%dma_start3A_555 : memref<128x64xf32, #tpu.memory_space<vmem>>) offsets(%dma_start3A_557 : memref<128xi32, #tpu.memory_space<vmem>>) semaphore(%arg16 : memref<!tpu.dma_semaphore, #tpu.memory_space<semaphore_mem>>)
      %dma_start3A_561 = arith.constant 128 : i32
      %dma_start3A_562 = arith.constant 0 : i32
      %dma_start3A_563 = tpu.memref_slice %arg10[%dma_start3A_561, %dma_start3A_562] : memref<640x64xf32, #tpu.memory_space<vmem>> -> memref<128x64xf32, #tpu.memory_space<vmem>>
      %dma_start3A_564 = arith.constant 128 : i32
      %dma_start3A_565 = tpu.memref_slice %arg6[%dma_start3A_564] : memref<640xi32, #tpu.memory_space<vmem>> -> memref<128xi32, #tpu.memory_space<vmem>>
      %dma_start3A_566 = arith.constant 0 : i32
      %dma_start3A_567 = arith.constant 0 : i32
      %dma_start3A_568 = tpu.memref_slice %arg2[%dma_start3A_566, %dma_start3A_567] : memref<100000x64xf32, #tpu.memory_space<hbm>> -> memref<100000x64xf32, #tpu.memory_space<hbm>>
      tpu.enqueue_indirect_dma source(%dma_start3A_568 : memref<100000x64xf32, #tpu.memory_space<hbm>>) target(%dma_start3A_563 : memref<128x64xf32, #tpu.memory_space<vmem>>) offsets(%dma_start3A_565 : memref<128xi32, #tpu.memory_space<vmem>>) semaphore(%arg16 : memref<!tpu.dma_semaphore, #tpu.memory_space<semaphore_mem>>)
      %dma_start3A_569 = arith.constant 256 : i32
      %dma_start3A_570 = arith.constant 0 : i32
      %dma_start3A_571 = tpu.memref_slice %arg10[%dma_start3A_569, %dma_start3A_570] : memref<640x64xf32, #tpu.memory_space<vmem>> -> memref<128x64xf32, #tpu.memory_space<vmem>>
      %dma_start3A_572 = arith.constant 256 : i32
      %dma_start3A_573 = tpu.memref_slice %arg6[%dma_start3A_572] : memref<640xi32, #tpu.memory_space<vmem>> -> memref<128xi32, #tpu.memory_space<vmem>>
      %dma_start3A_574 = arith.constant 0 : i32
      %dma_start3A_575 = arith.constant 0 : i32
      %dma_start3A_576 = tpu.memref_slice %arg2[%dma_start3A_574, %dma_start3A_575] : memref<100000x64xf32, #tpu.memory_space<hbm>> -> memref<100000x64xf32, #tpu.memory_space<hbm>>
      tpu.enqueue_indirect_dma source(%dma_start3A_576 : memref<100000x64xf32, #tpu.memory_space<hbm>>) target(%dma_start3A_571 : memref<128x64xf32, #tpu.memory_space<vmem>>) offsets(%dma_start3A_573 : memref<128xi32, #tpu.memory_space<vmem>>) semaphore(%arg16 : memref<!tpu.dma_semaphore, #tpu.memory_space<semaphore_mem>>)
      %dma_start3A_577 = arith.constant 384 : i32
      %dma_start3A_578 = arith.constant 0 : i32
      %dma_start3A_579 = tpu.memref_slice %arg10[%dma_start3A_577, %dma_start3A_578] : memref<640x64xf32, #tpu.memory_space<vmem>> -> memref<128x64xf32, #tpu.memory_space<vmem>>
      %dma_start3A_580 = arith.constant 384 : i32
      %dma_start3A_581 = tpu.memref_slice %arg6[%dma_start3A_580] : memref<640xi32, #tpu.memory_space<vmem>> -> memref<128xi32, #tpu.memory_space<vmem>>
      %dma_start3A_582 = arith.constant 0 : i32
      %dma_start3A_583 = arith.constant 0 : i32
      %dma_start3A_584 = tpu.memref_slice %arg2[%dma_start3A_582, %dma_start3A_583] : memref<100000x64xf32, #tpu.memory_space<hbm>> -> memref<100000x64xf32, #tpu.memory_space<hbm>>
      tpu.enqueue_indirect_dma source(%dma_start3A_584 : memref<100000x64xf32, #tpu.memory_space<hbm>>) target(%dma_start3A_579 : memref<128x64xf32, #tpu.memory_space<vmem>>) offsets(%dma_start3A_581 : memref<128xi32, #tpu.memory_space<vmem>>) semaphore(%arg16 : memref<!tpu.dma_semaphore, #tpu.memory_space<semaphore_mem>>)
      %dma_start3A_585 = arith.constant 512 : i32
      %dma_start3A_586 = arith.constant 0 : i32
      %dma_start3A_587 = tpu.memref_slice %arg10[%dma_start3A_585, %dma_start3A_586] : memref<640x64xf32, #tpu.memory_space<vmem>> -> memref<128x64xf32, #tpu.memory_space<vmem>>
      %dma_start3A_588 = arith.constant 512 : i32
      %dma_start3A_589 = tpu.memref_slice %arg6[%dma_start3A_588] : memref<640xi32, #tpu.memory_space<vmem>> -> memref<128xi32, #tpu.memory_space<vmem>>
      %dma_start3A_590 = arith.constant 0 : i32
      %dma_start3A_591 = arith.constant 0 : i32
      %dma_start3A_592 = tpu.memref_slice %arg2[%dma_start3A_590, %dma_start3A_591] : memref<100000x64xf32, #tpu.memory_space<hbm>> -> memref<100000x64xf32, #tpu.memory_space<hbm>>
      tpu.enqueue_indirect_dma source(%dma_start3A_592 : memref<100000x64xf32, #tpu.memory_space<hbm>>) target(%dma_start3A_587 : memref<128x64xf32, #tpu.memory_space<vmem>>) offsets(%dma_start3A_589 : memref<128xi32, #tpu.memory_space<vmem>>) semaphore(%arg16 : memref<!tpu.dma_semaphore, #tpu.memory_space<semaphore_mem>>)
      %dma_wait3A_593 = arith.constant 0 : i32
      %dma_wait3A_594 = arith.constant 0 : i32
      %dma_wait3A_595 = tpu.memref_slice %arg9[%dma_wait3A_593, %dma_wait3A_594] : memref<640x64xf32, #tpu.memory_space<vmem>> -> memref<128x64xf32, #tpu.memory_space<vmem>>
      %dma_wait3A_596 = arith.constant 0 : i32
      %dma_wait3A_597 = tpu.memref_slice %arg5[%dma_wait3A_596] : memref<640xi32, #tpu.memory_space<vmem>> -> memref<128xi32, #tpu.memory_space<vmem>>
      %dma_wait3A_598 = arith.constant 0 : i32
      %dma_wait3A_599 = arith.constant 0 : i32
      %dma_wait3A_600 = tpu.memref_slice %arg2[%dma_wait3A_598, %dma_wait3A_599] : memref<100000x64xf32, #tpu.memory_space<hbm>> -> memref<100000x64xf32, #tpu.memory_space<hbm>>
      tpu.wait_indirect_dma semaphore(%arg15 : memref<!tpu.dma_semaphore, #tpu.memory_space<semaphore_mem>>) src(%dma_wait3A_600 : memref<100000x64xf32, #tpu.memory_space<hbm>>) dst(%dma_wait3A_595 : memref<128x64xf32, #tpu.memory_space<vmem>>)
      %dma_wait3A_601 = arith.constant 128 : i32
      %dma_wait3A_602 = arith.constant 0 : i32
      %dma_wait3A_603 = tpu.memref_slice %arg9[%dma_wait3A_601, %dma_wait3A_602] : memref<640x64xf32, #tpu.memory_space<vmem>> -> memref<128x64xf32, #tpu.memory_space<vmem>>
      %dma_wait3A_604 = arith.constant 128 : i32
      %dma_wait3A_605 = tpu.memref_slice %arg5[%dma_wait3A_604] : memref<640xi32, #tpu.memory_space<vmem>> -> memref<128xi32, #tpu.memory_space<vmem>>
      %dma_wait3A_606 = arith.constant 0 : i32
      %dma_wait3A_607 = arith.constant 0 : i32
      %dma_wait3A_608 = tpu.memref_slice %arg2[%dma_wait3A_606, %dma_wait3A_607] : memref<100000x64xf32, #tpu.memory_space<hbm>> -> memref<100000x64xf32, #tpu.memory_space<hbm>>
      tpu.wait_indirect_dma semaphore(%arg15 : memref<!tpu.dma_semaphore, #tpu.memory_space<semaphore_mem>>) src(%dma_wait3A_608 : memref<100000x64xf32, #tpu.memory_space<hbm>>) dst(%dma_wait3A_603 : memref<128x64xf32, #tpu.memory_space<vmem>>)
      %dma_wait3A_609 = arith.constant 256 : i32
      %dma_wait3A_610 = arith.constant 0 : i32
      %dma_wait3A_611 = tpu.memref_slice %arg9[%dma_wait3A_609, %dma_wait3A_610] : memref<640x64xf32, #tpu.memory_space<vmem>> -> memref<128x64xf32, #tpu.memory_space<vmem>>
      %dma_wait3A_612 = arith.constant 256 : i32
      %dma_wait3A_613 = tpu.memref_slice %arg5[%dma_wait3A_612] : memref<640xi32, #tpu.memory_space<vmem>> -> memref<128xi32, #tpu.memory_space<vmem>>
      %dma_wait3A_614 = arith.constant 0 : i32
      %dma_wait3A_615 = arith.constant 0 : i32
      %dma_wait3A_616 = tpu.memref_slice %arg2[%dma_wait3A_614, %dma_wait3A_615] : memref<100000x64xf32, #tpu.memory_space<hbm>> -> memref<100000x64xf32, #tpu.memory_space<hbm>>
      tpu.wait_indirect_dma semaphore(%arg15 : memref<!tpu.dma_semaphore, #tpu.memory_space<semaphore_mem>>) src(%dma_wait3A_616 : memref<100000x64xf32, #tpu.memory_space<hbm>>) dst(%dma_wait3A_611 : memref<128x64xf32, #tpu.memory_space<vmem>>)
      %dma_wait3A_617 = arith.constant 384 : i32
      %dma_wait3A_618 = arith.constant 0 : i32
      %dma_wait3A_619 = tpu.memref_slice %arg9[%dma_wait3A_617, %dma_wait3A_618] : memref<640x64xf32, #tpu.memory_space<vmem>> -> memref<128x64xf32, #tpu.memory_space<vmem>>
      %dma_wait3A_620 = arith.constant 384 : i32
      %dma_wait3A_621 = tpu.memref_slice %arg5[%dma_wait3A_620] : memref<640xi32, #tpu.memory_space<vmem>> -> memref<128xi32, #tpu.memory_space<vmem>>
      %dma_wait3A_622 = arith.constant 0 : i32
      %dma_wait3A_623 = arith.constant 0 : i32
      %dma_wait3A_624 = tpu.memref_slice %arg2[%dma_wait3A_622, %dma_wait3A_623] : memref<100000x64xf32, #tpu.memory_space<hbm>> -> memref<100000x64xf32, #tpu.memory_space<hbm>>
      tpu.wait_indirect_dma semaphore(%arg15 : memref<!tpu.dma_semaphore, #tpu.memory_space<semaphore_mem>>) src(%dma_wait3A_624 : memref<100000x64xf32, #tpu.memory_space<hbm>>) dst(%dma_wait3A_619 : memref<128x64xf32, #tpu.memory_space<vmem>>)
      %dma_wait3A_625 = arith.constant 512 : i32
      %dma_wait3A_626 = arith.constant 0 : i32
      %dma_wait3A_627 = tpu.memref_slice %arg9[%dma_wait3A_625, %dma_wait3A_626] : memref<640x64xf32, #tpu.memory_space<vmem>> -> memref<128x64xf32, #tpu.memory_space<vmem>>
      %dma_wait3A_628 = arith.constant 512 : i32
      %dma_wait3A_629 = tpu.memref_slice %arg5[%dma_wait3A_628] : memref<640xi32, #tpu.memory_space<vmem>> -> memref<128xi32, #tpu.memory_space<vmem>>
      %dma_wait3A_630 = arith.constant 0 : i32
      %dma_wait3A_631 = arith.constant 0 : i32
      %dma_wait3A_632 = tpu.memref_slice %arg2[%dma_wait3A_630, %dma_wait3A_631] : memref<100000x64xf32, #tpu.memory_space<hbm>> -> memref<100000x64xf32, #tpu.memory_space<hbm>>
      tpu.wait_indirect_dma semaphore(%arg15 : memref<!tpu.dma_semaphore, #tpu.memory_space<semaphore_mem>>) src(%dma_wait3A_632 : memref<100000x64xf32, #tpu.memory_space<hbm>>) dst(%dma_wait3A_627 : memref<128x64xf32, #tpu.memory_space<vmem>>)
      %add3A_633 = arith.constant 3 : i32
      %add3A_634 = arith.addi %add3A_542, %add3A_633 : i32
      %min3A_635 = arith.constant 39 : i32
      %min3A_636 = arith.minsi %add3A_634, %min3A_635 : i32
      %mul3A_637 = arith.constant 640 : i32
      %mul3A_638 = arith.muli %min3A_636, %mul3A_637 : i32
      %add3A_639 = arith.addi %mul3A_2, %mul3A_638 : i32
      %dma_start3A_640 = tpu.memref_slice %arg3[%add3A_639] : memref<819200xi32, #tpu.memory_space<hbm>> -> memref<640xi32, #tpu.memory_space<hbm>>
      %dma_start3A_641 = tpu.memref_slice %arg3[%add3A_639] : memref<819200xi32, #tpu.memory_space<hbm>> -> memref<640xi32, #tpu.memory_space<hbm>>
      tpu.enqueue_dma source(%dma_start3A_641 : memref<640xi32, #tpu.memory_space<hbm>>) target(%arg5 : memref<640xi32, #tpu.memory_space<vmem>>) target_semaphore(%arg11 : memref<!tpu.dma_semaphore, #tpu.memory_space<semaphore_mem>>)
      %sub3A_642 = arith.constant 1 : i32
      %sub3A_643 = arith.subi %add3A_542, %sub3A_642 : i32
      %mul3A_644 = arith.constant 640 : i32
      %mul3A_645 = arith.muli %sub3A_643, %mul3A_644 : i32
      %add3A_646 = arith.addi %mul3A_2, %mul3A_645 : i32
      %dma_start3A_647 = arith.constant 0 : i32
      %dma_start3A_648 = tpu.memref_slice %arg4[%add3A_646, %dma_start3A_647] : memref<819200x64xf32, #tpu.memory_space<hbm>> -> memref<640x64xf32, #tpu.memory_space<hbm>>
      %dma_start3A_649 = arith.constant 0 : i32
      %dma_start3A_650 = tpu.memref_slice %arg4[%add3A_646, %dma_start3A_649] : memref<819200x64xf32, #tpu.memory_space<hbm>> -> memref<640x64xf32, #tpu.memory_space<hbm>>
      tpu.enqueue_dma source(%arg9 : memref<640x64xf32, #tpu.memory_space<vmem>>) target(%dma_start3A_650 : memref<640x64xf32, #tpu.memory_space<hbm>>) target_semaphore(%arg17 : memref<!tpu.dma_semaphore, #tpu.memory_space<semaphore_mem>>)
      %add3A_651 = arith.constant 2 : i32
      %add3A_652 = arith.addi %mul3A_432, %add3A_651 : i32
      %dma_wait3A_653 = arith.constant 0 : i32
      %dma_wait3A_654 = tpu.memref_slice %arg3[%dma_wait3A_653] : memref<819200xi32, #tpu.memory_space<hbm>> -> memref<640xi32, #tpu.memory_space<hbm>>
      %dma_wait3A_655 = arith.constant 0 : i32
      %dma_wait3A_656 = tpu.memref_slice %arg3[%dma_wait3A_655] : memref<819200xi32, #tpu.memory_space<hbm>> -> memref<640xi32, #tpu.memory_space<hbm>>
      tpu.wait_dma2 semaphore(%arg13 : memref<!tpu.dma_semaphore, #tpu.memory_space<semaphore_mem>>) src(%dma_wait3A_656 : memref<640xi32, #tpu.memory_space<hbm>>) dst(%arg7 : memref<640xi32, #tpu.memory_space<vmem>>)
      %dma_wait3A_657 = arith.constant 0 : i32
      %dma_wait3A_658 = arith.constant 0 : i32
      %dma_wait3A_659 = tpu.memref_slice %arg4[%dma_wait3A_657, %dma_wait3A_658] : memref<819200x64xf32, #tpu.memory_space<hbm>> -> memref<640x64xf32, #tpu.memory_space<hbm>>
      %dma_wait3A_660 = arith.constant 0 : i32
      %dma_wait3A_661 = arith.constant 0 : i32
      %dma_wait3A_662 = tpu.memref_slice %arg4[%dma_wait3A_660, %dma_wait3A_661] : memref<819200x64xf32, #tpu.memory_space<hbm>> -> memref<640x64xf32, #tpu.memory_space<hbm>>
      tpu.wait_dma2 semaphore(%arg17 : memref<!tpu.dma_semaphore, #tpu.memory_space<semaphore_mem>>) src(%arg9 : memref<640x64xf32, #tpu.memory_space<vmem>>) dst(%dma_wait3A_662 : memref<640x64xf32, #tpu.memory_space<hbm>>)
      %dma_start3A_663 = arith.constant 0 : i32
      %dma_start3A_664 = arith.constant 0 : i32
      %dma_start3A_665 = tpu.memref_slice %arg9[%dma_start3A_663, %dma_start3A_664] : memref<640x64xf32, #tpu.memory_space<vmem>> -> memref<128x64xf32, #tpu.memory_space<vmem>>
      %dma_start3A_666 = arith.constant 0 : i32
      %dma_start3A_667 = tpu.memref_slice %arg7[%dma_start3A_666] : memref<640xi32, #tpu.memory_space<vmem>> -> memref<128xi32, #tpu.memory_space<vmem>>
      %dma_start3A_668 = arith.constant 0 : i32
      %dma_start3A_669 = arith.constant 0 : i32
      %dma_start3A_670 = tpu.memref_slice %arg2[%dma_start3A_668, %dma_start3A_669] : memref<100000x64xf32, #tpu.memory_space<hbm>> -> memref<100000x64xf32, #tpu.memory_space<hbm>>
      tpu.enqueue_indirect_dma source(%dma_start3A_670 : memref<100000x64xf32, #tpu.memory_space<hbm>>) target(%dma_start3A_665 : memref<128x64xf32, #tpu.memory_space<vmem>>) offsets(%dma_start3A_667 : memref<128xi32, #tpu.memory_space<vmem>>) semaphore(%arg15 : memref<!tpu.dma_semaphore, #tpu.memory_space<semaphore_mem>>)
      %dma_start3A_671 = arith.constant 128 : i32
      %dma_start3A_672 = arith.constant 0 : i32
      %dma_start3A_673 = tpu.memref_slice %arg9[%dma_start3A_671, %dma_start3A_672] : memref<640x64xf32, #tpu.memory_space<vmem>> -> memref<128x64xf32, #tpu.memory_space<vmem>>
      %dma_start3A_674 = arith.constant 128 : i32
      %dma_start3A_675 = tpu.memref_slice %arg7[%dma_start3A_674] : memref<640xi32, #tpu.memory_space<vmem>> -> memref<128xi32, #tpu.memory_space<vmem>>
      %dma_start3A_676 = arith.constant 0 : i32
      %dma_start3A_677 = arith.constant 0 : i32
      %dma_start3A_678 = tpu.memref_slice %arg2[%dma_start3A_676, %dma_start3A_677] : memref<100000x64xf32, #tpu.memory_space<hbm>> -> memref<100000x64xf32, #tpu.memory_space<hbm>>
      tpu.enqueue_indirect_dma source(%dma_start3A_678 : memref<100000x64xf32, #tpu.memory_space<hbm>>) target(%dma_start3A_673 : memref<128x64xf32, #tpu.memory_space<vmem>>) offsets(%dma_start3A_675 : memref<128xi32, #tpu.memory_space<vmem>>) semaphore(%arg15 : memref<!tpu.dma_semaphore, #tpu.memory_space<semaphore_mem>>)
      %dma_start3A_679 = arith.constant 256 : i32
      %dma_start3A_680 = arith.constant 0 : i32
      %dma_start3A_681 = tpu.memref_slice %arg9[%dma_start3A_679, %dma_start3A_680] : memref<640x64xf32, #tpu.memory_space<vmem>> -> memref<128x64xf32, #tpu.memory_space<vmem>>
      %dma_start3A_682 = arith.constant 256 : i32
      %dma_start3A_683 = tpu.memref_slice %arg7[%dma_start3A_682] : memref<640xi32, #tpu.memory_space<vmem>> -> memref<128xi32, #tpu.memory_space<vmem>>
      %dma_start3A_684 = arith.constant 0 : i32
      %dma_start3A_685 = arith.constant 0 : i32
      %dma_start3A_686 = tpu.memref_slice %arg2[%dma_start3A_684, %dma_start3A_685] : memref<100000x64xf32, #tpu.memory_space<hbm>> -> memref<100000x64xf32, #tpu.memory_space<hbm>>
      tpu.enqueue_indirect_dma source(%dma_start3A_686 : memref<100000x64xf32, #tpu.memory_space<hbm>>) target(%dma_start3A_681 : memref<128x64xf32, #tpu.memory_space<vmem>>) offsets(%dma_start3A_683 : memref<128xi32, #tpu.memory_space<vmem>>) semaphore(%arg15 : memref<!tpu.dma_semaphore, #tpu.memory_space<semaphore_mem>>)
      %dma_start3A_687 = arith.constant 384 : i32
      %dma_start3A_688 = arith.constant 0 : i32
      %dma_start3A_689 = tpu.memref_slice %arg9[%dma_start3A_687, %dma_start3A_688] : memref<640x64xf32, #tpu.memory_space<vmem>> -> memref<128x64xf32, #tpu.memory_space<vmem>>
      %dma_start3A_690 = arith.constant 384 : i32
      %dma_start3A_691 = tpu.memref_slice %arg7[%dma_start3A_690] : memref<640xi32, #tpu.memory_space<vmem>> -> memref<128xi32, #tpu.memory_space<vmem>>
      %dma_start3A_692 = arith.constant 0 : i32
      %dma_start3A_693 = arith.constant 0 : i32
      %dma_start3A_694 = tpu.memref_slice %arg2[%dma_start3A_692, %dma_start3A_693] : memref<100000x64xf32, #tpu.memory_space<hbm>> -> memref<100000x64xf32, #tpu.memory_space<hbm>>
      tpu.enqueue_indirect_dma source(%dma_start3A_694 : memref<100000x64xf32, #tpu.memory_space<hbm>>) target(%dma_start3A_689 : memref<128x64xf32, #tpu.memory_space<vmem>>) offsets(%dma_start3A_691 : memref<128xi32, #tpu.memory_space<vmem>>) semaphore(%arg15 : memref<!tpu.dma_semaphore, #tpu.memory_space<semaphore_mem>>)
      %dma_start3A_695 = arith.constant 512 : i32
      %dma_start3A_696 = arith.constant 0 : i32
      %dma_start3A_697 = tpu.memref_slice %arg9[%dma_start3A_695, %dma_start3A_696] : memref<640x64xf32, #tpu.memory_space<vmem>> -> memref<128x64xf32, #tpu.memory_space<vmem>>
      %dma_start3A_698 = arith.constant 512 : i32
      %dma_start3A_699 = tpu.memref_slice %arg7[%dma_start3A_698] : memref<640xi32, #tpu.memory_space<vmem>> -> memref<128xi32, #tpu.memory_space<vmem>>
      %dma_start3A_700 = arith.constant 0 : i32
      %dma_start3A_701 = arith.constant 0 : i32
      %dma_start3A_702 = tpu.memref_slice %arg2[%dma_start3A_700, %dma_start3A_701] : memref<100000x64xf32, #tpu.memory_space<hbm>> -> memref<100000x64xf32, #tpu.memory_space<hbm>>
      tpu.enqueue_indirect_dma source(%dma_start3A_702 : memref<100000x64xf32, #tpu.memory_space<hbm>>) target(%dma_start3A_697 : memref<128x64xf32, #tpu.memory_space<vmem>>) offsets(%dma_start3A_699 : memref<128xi32, #tpu.memory_space<vmem>>) semaphore(%arg15 : memref<!tpu.dma_semaphore, #tpu.memory_space<semaphore_mem>>)
      %dma_wait3A_703 = arith.constant 0 : i32
      %dma_wait3A_704 = arith.constant 0 : i32
      %dma_wait3A_705 = tpu.memref_slice %arg10[%dma_wait3A_703, %dma_wait3A_704] : memref<640x64xf32, #tpu.memory_space<vmem>> -> memref<128x64xf32, #tpu.memory_space<vmem>>
      %dma_wait3A_706 = arith.constant 0 : i32
      %dma_wait3A_707 = tpu.memref_slice %arg6[%dma_wait3A_706] : memref<640xi32, #tpu.memory_space<vmem>> -> memref<128xi32, #tpu.memory_space<vmem>>
      %dma_wait3A_708 = arith.constant 0 : i32
      %dma_wait3A_709 = arith.constant 0 : i32
      %dma_wait3A_710 = tpu.memref_slice %arg2[%dma_wait3A_708, %dma_wait3A_709] : memref<100000x64xf32, #tpu.memory_space<hbm>> -> memref<100000x64xf32, #tpu.memory_space<hbm>>
      tpu.wait_indirect_dma semaphore(%arg16 : memref<!tpu.dma_semaphore, #tpu.memory_space<semaphore_mem>>) src(%dma_wait3A_710 : memref<100000x64xf32, #tpu.memory_space<hbm>>) dst(%dma_wait3A_705 : memref<128x64xf32, #tpu.memory_space<vmem>>)
      %dma_wait3A_711 = arith.constant 128 : i32
      %dma_wait3A_712 = arith.constant 0 : i32
      %dma_wait3A_713 = tpu.memref_slice %arg10[%dma_wait3A_711, %dma_wait3A_712] : memref<640x64xf32, #tpu.memory_space<vmem>> -> memref<128x64xf32, #tpu.memory_space<vmem>>
      %dma_wait3A_714 = arith.constant 128 : i32
      %dma_wait3A_715 = tpu.memref_slice %arg6[%dma_wait3A_714] : memref<640xi32, #tpu.memory_space<vmem>> -> memref<128xi32, #tpu.memory_space<vmem>>
      %dma_wait3A_716 = arith.constant 0 : i32
      %dma_wait3A_717 = arith.constant 0 : i32
      %dma_wait3A_718 = tpu.memref_slice %arg2[%dma_wait3A_716, %dma_wait3A_717] : memref<100000x64xf32, #tpu.memory_space<hbm>> -> memref<100000x64xf32, #tpu.memory_space<hbm>>
      tpu.wait_indirect_dma semaphore(%arg16 : memref<!tpu.dma_semaphore, #tpu.memory_space<semaphore_mem>>) src(%dma_wait3A_718 : memref<100000x64xf32, #tpu.memory_space<hbm>>) dst(%dma_wait3A_713 : memref<128x64xf32, #tpu.memory_space<vmem>>)
      %dma_wait3A_719 = arith.constant 256 : i32
      %dma_wait3A_720 = arith.constant 0 : i32
      %dma_wait3A_721 = tpu.memref_slice %arg10[%dma_wait3A_719, %dma_wait3A_720] : memref<640x64xf32, #tpu.memory_space<vmem>> -> memref<128x64xf32, #tpu.memory_space<vmem>>
      %dma_wait3A_722 = arith.constant 256 : i32
      %dma_wait3A_723 = tpu.memref_slice %arg6[%dma_wait3A_722] : memref<640xi32, #tpu.memory_space<vmem>> -> memref<128xi32, #tpu.memory_space<vmem>>
      %dma_wait3A_724 = arith.constant 0 : i32
      %dma_wait3A_725 = arith.constant 0 : i32
      %dma_wait3A_726 = tpu.memref_slice %arg2[%dma_wait3A_724, %dma_wait3A_725] : memref<100000x64xf32, #tpu.memory_space<hbm>> -> memref<100000x64xf32, #tpu.memory_space<hbm>>
      tpu.wait_indirect_dma semaphore(%arg16 : memref<!tpu.dma_semaphore, #tpu.memory_space<semaphore_mem>>) src(%dma_wait3A_726 : memref<100000x64xf32, #tpu.memory_space<hbm>>) dst(%dma_wait3A_721 : memref<128x64xf32, #tpu.memory_space<vmem>>)
      %dma_wait3A_727 = arith.constant 384 : i32
      %dma_wait3A_728 = arith.constant 0 : i32
      %dma_wait3A_729 = tpu.memref_slice %arg10[%dma_wait3A_727, %dma_wait3A_728] : memref<640x64xf32, #tpu.memory_space<vmem>> -> memref<128x64xf32, #tpu.memory_space<vmem>>
      %dma_wait3A_730 = arith.constant 384 : i32
      %dma_wait3A_731 = tpu.memref_slice %arg6[%dma_wait3A_730] : memref<640xi32, #tpu.memory_space<vmem>> -> memref<128xi32, #tpu.memory_space<vmem>>
      %dma_wait3A_732 = arith.constant 0 : i32
      %dma_wait3A_733 = arith.constant 0 : i32
      %dma_wait3A_734 = tpu.memref_slice %arg2[%dma_wait3A_732, %dma_wait3A_733] : memref<100000x64xf32, #tpu.memory_space<hbm>> -> memref<100000x64xf32, #tpu.memory_space<hbm>>
      tpu.wait_indirect_dma semaphore(%arg16 : memref<!tpu.dma_semaphore, #tpu.memory_space<semaphore_mem>>) src(%dma_wait3A_734 : memref<100000x64xf32, #tpu.memory_space<hbm>>) dst(%dma_wait3A_729 : memref<128x64xf32, #tpu.memory_space<vmem>>)
      %dma_wait3A_735 = arith.constant 512 : i32
      %dma_wait3A_736 = arith.constant 0 : i32
      %dma_wait3A_737 = tpu.memref_slice %arg10[%dma_wait3A_735, %dma_wait3A_736] : memref<640x64xf32, #tpu.memory_space<vmem>> -> memref<128x64xf32, #tpu.memory_space<vmem>>
      %dma_wait3A_738 = arith.constant 512 : i32
      %dma_wait3A_739 = tpu.memref_slice %arg6[%dma_wait3A_738] : memref<640xi32, #tpu.memory_space<vmem>> -> memref<128xi32, #tpu.memory_space<vmem>>
      %dma_wait3A_740 = arith.constant 0 : i32
      %dma_wait3A_741 = arith.constant 0 : i32
      %dma_wait3A_742 = tpu.memref_slice %arg2[%dma_wait3A_740, %dma_wait3A_741] : memref<100000x64xf32, #tpu.memory_space<hbm>> -> memref<100000x64xf32, #tpu.memory_space<hbm>>
      tpu.wait_indirect_dma semaphore(%arg16 : memref<!tpu.dma_semaphore, #tpu.memory_space<semaphore_mem>>) src(%dma_wait3A_742 : memref<100000x64xf32, #tpu.memory_space<hbm>>) dst(%dma_wait3A_737 : memref<128x64xf32, #tpu.memory_space<vmem>>)
      %add3A_743 = arith.constant 3 : i32
      %add3A_744 = arith.addi %add3A_652, %add3A_743 : i32
      %min3A_745 = arith.constant 39 : i32
      %min3A_746 = arith.minsi %add3A_744, %min3A_745 : i32
      %mul3A_747 = arith.constant 640 : i32
      %mul3A_748 = arith.muli %min3A_746, %mul3A_747 : i32
      %add3A_749 = arith.addi %mul3A_2, %mul3A_748 : i32
      %dma_start3A_750 = tpu.memref_slice %arg3[%add3A_749] : memref<819200xi32, #tpu.memory_space<hbm>> -> memref<640xi32, #tpu.memory_space<hbm>>
      %dma_start3A_751 = tpu.memref_slice %arg3[%add3A_749] : memref<819200xi32, #tpu.memory_space<hbm>> -> memref<640xi32, #tpu.memory_space<hbm>>
      tpu.enqueue_dma source(%dma_start3A_751 : memref<640xi32, #tpu.memory_space<hbm>>) target(%arg6 : memref<640xi32, #tpu.memory_space<vmem>>) target_semaphore(%arg12 : memref<!tpu.dma_semaphore, #tpu.memory_space<semaphore_mem>>)
      %sub3A_752 = arith.constant 1 : i32
      %sub3A_753 = arith.subi %add3A_652, %sub3A_752 : i32
      %mul3A_754 = arith.constant 640 : i32
      %mul3A_755 = arith.muli %sub3A_753, %mul3A_754 : i32
      %add3A_756 = arith.addi %mul3A_2, %mul3A_755 : i32
      %dma_start3A_757 = arith.constant 0 : i32
      %dma_start3A_758 = tpu.memref_slice %arg4[%add3A_756, %dma_start3A_757] : memref<819200x64xf32, #tpu.memory_space<hbm>> -> memref<640x64xf32, #tpu.memory_space<hbm>>
      %dma_start3A_759 = arith.constant 0 : i32
      %dma_start3A_760 = tpu.memref_slice %arg4[%add3A_756, %dma_start3A_759] : memref<819200x64xf32, #tpu.memory_space<hbm>> -> memref<640x64xf32, #tpu.memory_space<hbm>>
      tpu.enqueue_dma source(%arg10 : memref<640x64xf32, #tpu.memory_space<vmem>>) target(%dma_start3A_760 : memref<640x64xf32, #tpu.memory_space<hbm>>) target_semaphore(%arg18 : memref<!tpu.dma_semaphore, #tpu.memory_space<semaphore_mem>>)
      %add3A_761 = arith.constant 3 : i32
      %add3A_762 = arith.addi %mul3A_432, %add3A_761 : i32
      %dma_wait3A_763 = arith.constant 0 : i32
      %dma_wait3A_764 = tpu.memref_slice %arg3[%dma_wait3A_763] : memref<819200xi32, #tpu.memory_space<hbm>> -> memref<640xi32, #tpu.memory_space<hbm>>
      %dma_wait3A_765 = arith.constant 0 : i32
      %dma_wait3A_766 = tpu.memref_slice %arg3[%dma_wait3A_765] : memref<819200xi32, #tpu.memory_space<hbm>> -> memref<640xi32, #tpu.memory_space<hbm>>
      tpu.wait_dma2 semaphore(%arg14 : memref<!tpu.dma_semaphore, #tpu.memory_space<semaphore_mem>>) src(%dma_wait3A_766 : memref<640xi32, #tpu.memory_space<hbm>>) dst(%arg8 : memref<640xi32, #tpu.memory_space<vmem>>)
      %dma_wait3A_767 = arith.constant 0 : i32
      %dma_wait3A_768 = arith.constant 0 : i32
      %dma_wait3A_769 = tpu.memref_slice %arg4[%dma_wait3A_767, %dma_wait3A_768] : memref<819200x64xf32, #tpu.memory_space<hbm>> -> memref<640x64xf32, #tpu.memory_space<hbm>>
      %dma_wait3A_770 = arith.constant 0 : i32
      %dma_wait3A_771 = arith.constant 0 : i32
      %dma_wait3A_772 = tpu.memref_slice %arg4[%dma_wait3A_770, %dma_wait3A_771] : memref<819200x64xf32, #tpu.memory_space<hbm>> -> memref<640x64xf32, #tpu.memory_space<hbm>>
      tpu.wait_dma2 semaphore(%arg18 : memref<!tpu.dma_semaphore, #tpu.memory_space<semaphore_mem>>) src(%arg10 : memref<640x64xf32, #tpu.memory_space<vmem>>) dst(%dma_wait3A_772 : memref<640x64xf32, #tpu.memory_space<hbm>>)
      %dma_start3A_773 = arith.constant 0 : i32
      %dma_start3A_774 = arith.constant 0 : i32
      %dma_start3A_775 = tpu.memref_slice %arg10[%dma_start3A_773, %dma_start3A_774] : memref<640x64xf32, #tpu.memory_space<vmem>> -> memref<128x64xf32, #tpu.memory_space<vmem>>
      %dma_start3A_776 = arith.constant 0 : i32
      %dma_start3A_777 = tpu.memref_slice %arg8[%dma_start3A_776] : memref<640xi32, #tpu.memory_space<vmem>> -> memref<128xi32, #tpu.memory_space<vmem>>
      %dma_start3A_778 = arith.constant 0 : i32
      %dma_start3A_779 = arith.constant 0 : i32
      %dma_start3A_780 = tpu.memref_slice %arg2[%dma_start3A_778, %dma_start3A_779] : memref<100000x64xf32, #tpu.memory_space<hbm>> -> memref<100000x64xf32, #tpu.memory_space<hbm>>
      tpu.enqueue_indirect_dma source(%dma_start3A_780 : memref<100000x64xf32, #tpu.memory_space<hbm>>) target(%dma_start3A_775 : memref<128x64xf32, #tpu.memory_space<vmem>>) offsets(%dma_start3A_777 : memref<128xi32, #tpu.memory_space<vmem>>) semaphore(%arg16 : memref<!tpu.dma_semaphore, #tpu.memory_space<semaphore_mem>>)
      %dma_start3A_781 = arith.constant 128 : i32
      %dma_start3A_782 = arith.constant 0 : i32
      %dma_start3A_783 = tpu.memref_slice %arg10[%dma_start3A_781, %dma_start3A_782] : memref<640x64xf32, #tpu.memory_space<vmem>> -> memref<128x64xf32, #tpu.memory_space<vmem>>
      %dma_start3A_784 = arith.constant 128 : i32
      %dma_start3A_785 = tpu.memref_slice %arg8[%dma_start3A_784] : memref<640xi32, #tpu.memory_space<vmem>> -> memref<128xi32, #tpu.memory_space<vmem>>
      %dma_start3A_786 = arith.constant 0 : i32
      %dma_start3A_787 = arith.constant 0 : i32
      %dma_start3A_788 = tpu.memref_slice %arg2[%dma_start3A_786, %dma_start3A_787] : memref<100000x64xf32, #tpu.memory_space<hbm>> -> memref<100000x64xf32, #tpu.memory_space<hbm>>
      tpu.enqueue_indirect_dma source(%dma_start3A_788 : memref<100000x64xf32, #tpu.memory_space<hbm>>) target(%dma_start3A_783 : memref<128x64xf32, #tpu.memory_space<vmem>>) offsets(%dma_start3A_785 : memref<128xi32, #tpu.memory_space<vmem>>) semaphore(%arg16 : memref<!tpu.dma_semaphore, #tpu.memory_space<semaphore_mem>>)
      %dma_start3A_789 = arith.constant 256 : i32
      %dma_start3A_790 = arith.constant 0 : i32
      %dma_start3A_791 = tpu.memref_slice %arg10[%dma_start3A_789, %dma_start3A_790] : memref<640x64xf32, #tpu.memory_space<vmem>> -> memref<128x64xf32, #tpu.memory_space<vmem>>
      %dma_start3A_792 = arith.constant 256 : i32
      %dma_start3A_793 = tpu.memref_slice %arg8[%dma_start3A_792] : memref<640xi32, #tpu.memory_space<vmem>> -> memref<128xi32, #tpu.memory_space<vmem>>
      %dma_start3A_794 = arith.constant 0 : i32
      %dma_start3A_795 = arith.constant 0 : i32
      %dma_start3A_796 = tpu.memref_slice %arg2[%dma_start3A_794, %dma_start3A_795] : memref<100000x64xf32, #tpu.memory_space<hbm>> -> memref<100000x64xf32, #tpu.memory_space<hbm>>
      tpu.enqueue_indirect_dma source(%dma_start3A_796 : memref<100000x64xf32, #tpu.memory_space<hbm>>) target(%dma_start3A_791 : memref<128x64xf32, #tpu.memory_space<vmem>>) offsets(%dma_start3A_793 : memref<128xi32, #tpu.memory_space<vmem>>) semaphore(%arg16 : memref<!tpu.dma_semaphore, #tpu.memory_space<semaphore_mem>>)
      %dma_start3A_797 = arith.constant 384 : i32
      %dma_start3A_798 = arith.constant 0 : i32
      %dma_start3A_799 = tpu.memref_slice %arg10[%dma_start3A_797, %dma_start3A_798] : memref<640x64xf32, #tpu.memory_space<vmem>> -> memref<128x64xf32, #tpu.memory_space<vmem>>
      %dma_start3A_800 = arith.constant 384 : i32
      %dma_start3A_801 = tpu.memref_slice %arg8[%dma_start3A_800] : memref<640xi32, #tpu.memory_space<vmem>> -> memref<128xi32, #tpu.memory_space<vmem>>
      %dma_start3A_802 = arith.constant 0 : i32
      %dma_start3A_803 = arith.constant 0 : i32
      %dma_start3A_804 = tpu.memref_slice %arg2[%dma_start3A_802, %dma_start3A_803] : memref<100000x64xf32, #tpu.memory_space<hbm>> -> memref<100000x64xf32, #tpu.memory_space<hbm>>
      tpu.enqueue_indirect_dma source(%dma_start3A_804 : memref<100000x64xf32, #tpu.memory_space<hbm>>) target(%dma_start3A_799 : memref<128x64xf32, #tpu.memory_space<vmem>>) offsets(%dma_start3A_801 : memref<128xi32, #tpu.memory_space<vmem>>) semaphore(%arg16 : memref<!tpu.dma_semaphore, #tpu.memory_space<semaphore_mem>>)
      %dma_start3A_805 = arith.constant 512 : i32
      %dma_start3A_806 = arith.constant 0 : i32
      %dma_start3A_807 = tpu.memref_slice %arg10[%dma_start3A_805, %dma_start3A_806] : memref<640x64xf32, #tpu.memory_space<vmem>> -> memref<128x64xf32, #tpu.memory_space<vmem>>
      %dma_start3A_808 = arith.constant 512 : i32
      %dma_start3A_809 = tpu.memref_slice %arg8[%dma_start3A_808] : memref<640xi32, #tpu.memory_space<vmem>> -> memref<128xi32, #tpu.memory_space<vmem>>
      %dma_start3A_810 = arith.constant 0 : i32
      %dma_start3A_811 = arith.constant 0 : i32
      %dma_start3A_812 = tpu.memref_slice %arg2[%dma_start3A_810, %dma_start3A_811] : memref<100000x64xf32, #tpu.memory_space<hbm>> -> memref<100000x64xf32, #tpu.memory_space<hbm>>
      tpu.enqueue_indirect_dma source(%dma_start3A_812 : memref<100000x64xf32, #tpu.memory_space<hbm>>) target(%dma_start3A_807 : memref<128x64xf32, #tpu.memory_space<vmem>>) offsets(%dma_start3A_809 : memref<128xi32, #tpu.memory_space<vmem>>) semaphore(%arg16 : memref<!tpu.dma_semaphore, #tpu.memory_space<semaphore_mem>>)
      %dma_wait3A_813 = arith.constant 0 : i32
      %dma_wait3A_814 = arith.constant 0 : i32
      %dma_wait3A_815 = tpu.memref_slice %arg9[%dma_wait3A_813, %dma_wait3A_814] : memref<640x64xf32, #tpu.memory_space<vmem>> -> memref<128x64xf32, #tpu.memory_space<vmem>>
      %dma_wait3A_816 = arith.constant 0 : i32
      %dma_wait3A_817 = tpu.memref_slice %arg7[%dma_wait3A_816] : memref<640xi32, #tpu.memory_space<vmem>> -> memref<128xi32, #tpu.memory_space<vmem>>
      %dma_wait3A_818 = arith.constant 0 : i32
      %dma_wait3A_819 = arith.constant 0 : i32
      %dma_wait3A_820 = tpu.memref_slice %arg2[%dma_wait3A_818, %dma_wait3A_819] : memref<100000x64xf32, #tpu.memory_space<hbm>> -> memref<100000x64xf32, #tpu.memory_space<hbm>>
      tpu.wait_indirect_dma semaphore(%arg15 : memref<!tpu.dma_semaphore, #tpu.memory_space<semaphore_mem>>) src(%dma_wait3A_820 : memref<100000x64xf32, #tpu.memory_space<hbm>>) dst(%dma_wait3A_815 : memref<128x64xf32, #tpu.memory_space<vmem>>)
      %dma_wait3A_821 = arith.constant 128 : i32
      %dma_wait3A_822 = arith.constant 0 : i32
      %dma_wait3A_823 = tpu.memref_slice %arg9[%dma_wait3A_821, %dma_wait3A_822] : memref<640x64xf32, #tpu.memory_space<vmem>> -> memref<128x64xf32, #tpu.memory_space<vmem>>
      %dma_wait3A_824 = arith.constant 128 : i32
      %dma_wait3A_825 = tpu.memref_slice %arg7[%dma_wait3A_824] : memref<640xi32, #tpu.memory_space<vmem>> -> memref<128xi32, #tpu.memory_space<vmem>>
      %dma_wait3A_826 = arith.constant 0 : i32
      %dma_wait3A_827 = arith.constant 0 : i32
      %dma_wait3A_828 = tpu.memref_slice %arg2[%dma_wait3A_826, %dma_wait3A_827] : memref<100000x64xf32, #tpu.memory_space<hbm>> -> memref<100000x64xf32, #tpu.memory_space<hbm>>
      tpu.wait_indirect_dma semaphore(%arg15 : memref<!tpu.dma_semaphore, #tpu.memory_space<semaphore_mem>>) src(%dma_wait3A_828 : memref<100000x64xf32, #tpu.memory_space<hbm>>) dst(%dma_wait3A_823 : memref<128x64xf32, #tpu.memory_space<vmem>>)
      %dma_wait3A_829 = arith.constant 256 : i32
      %dma_wait3A_830 = arith.constant 0 : i32
      %dma_wait3A_831 = tpu.memref_slice %arg9[%dma_wait3A_829, %dma_wait3A_830] : memref<640x64xf32, #tpu.memory_space<vmem>> -> memref<128x64xf32, #tpu.memory_space<vmem>>
      %dma_wait3A_832 = arith.constant 256 : i32
      %dma_wait3A_833 = tpu.memref_slice %arg7[%dma_wait3A_832] : memref<640xi32, #tpu.memory_space<vmem>> -> memref<128xi32, #tpu.memory_space<vmem>>
      %dma_wait3A_834 = arith.constant 0 : i32
      %dma_wait3A_835 = arith.constant 0 : i32
      %dma_wait3A_836 = tpu.memref_slice %arg2[%dma_wait3A_834, %dma_wait3A_835] : memref<100000x64xf32, #tpu.memory_space<hbm>> -> memref<100000x64xf32, #tpu.memory_space<hbm>>
      tpu.wait_indirect_dma semaphore(%arg15 : memref<!tpu.dma_semaphore, #tpu.memory_space<semaphore_mem>>) src(%dma_wait3A_836 : memref<100000x64xf32, #tpu.memory_space<hbm>>) dst(%dma_wait3A_831 : memref<128x64xf32, #tpu.memory_space<vmem>>)
      %dma_wait3A_837 = arith.constant 384 : i32
      %dma_wait3A_838 = arith.constant 0 : i32
      %dma_wait3A_839 = tpu.memref_slice %arg9[%dma_wait3A_837, %dma_wait3A_838] : memref<640x64xf32, #tpu.memory_space<vmem>> -> memref<128x64xf32, #tpu.memory_space<vmem>>
      %dma_wait3A_840 = arith.constant 384 : i32
      %dma_wait3A_841 = tpu.memref_slice %arg7[%dma_wait3A_840] : memref<640xi32, #tpu.memory_space<vmem>> -> memref<128xi32, #tpu.memory_space<vmem>>
      %dma_wait3A_842 = arith.constant 0 : i32
      %dma_wait3A_843 = arith.constant 0 : i32
      %dma_wait3A_844 = tpu.memref_slice %arg2[%dma_wait3A_842, %dma_wait3A_843] : memref<100000x64xf32, #tpu.memory_space<hbm>> -> memref<100000x64xf32, #tpu.memory_space<hbm>>
      tpu.wait_indirect_dma semaphore(%arg15 : memref<!tpu.dma_semaphore, #tpu.memory_space<semaphore_mem>>) src(%dma_wait3A_844 : memref<100000x64xf32, #tpu.memory_space<hbm>>) dst(%dma_wait3A_839 : memref<128x64xf32, #tpu.memory_space<vmem>>)
      %dma_wait3A_845 = arith.constant 512 : i32
      %dma_wait3A_846 = arith.constant 0 : i32
      %dma_wait3A_847 = tpu.memref_slice %arg9[%dma_wait3A_845, %dma_wait3A_846] : memref<640x64xf32, #tpu.memory_space<vmem>> -> memref<128x64xf32, #tpu.memory_space<vmem>>
      %dma_wait3A_848 = arith.constant 512 : i32
      %dma_wait3A_849 = tpu.memref_slice %arg7[%dma_wait3A_848] : memref<640xi32, #tpu.memory_space<vmem>> -> memref<128xi32, #tpu.memory_space<vmem>>
      %dma_wait3A_850 = arith.constant 0 : i32
      %dma_wait3A_851 = arith.constant 0 : i32
      %dma_wait3A_852 = tpu.memref_slice %arg2[%dma_wait3A_850, %dma_wait3A_851] : memref<100000x64xf32, #tpu.memory_space<hbm>> -> memref<100000x64xf32, #tpu.memory_space<hbm>>
      tpu.wait_indirect_dma semaphore(%arg15 : memref<!tpu.dma_semaphore, #tpu.memory_space<semaphore_mem>>) src(%dma_wait3A_852 : memref<100000x64xf32, #tpu.memory_space<hbm>>) dst(%dma_wait3A_847 : memref<128x64xf32, #tpu.memory_space<vmem>>)
      %add3A_853 = arith.constant 3 : i32
      %add3A_854 = arith.addi %add3A_762, %add3A_853 : i32
      %min3A_855 = arith.constant 39 : i32
      %min3A_856 = arith.minsi %add3A_854, %min3A_855 : i32
      %mul3A_857 = arith.constant 640 : i32
      %mul3A_858 = arith.muli %min3A_856, %mul3A_857 : i32
      %add3A_859 = arith.addi %mul3A_2, %mul3A_858 : i32
      %dma_start3A_860 = tpu.memref_slice %arg3[%add3A_859] : memref<819200xi32, #tpu.memory_space<hbm>> -> memref<640xi32, #tpu.memory_space<hbm>>
      %dma_start3A_861 = tpu.memref_slice %arg3[%add3A_859] : memref<819200xi32, #tpu.memory_space<hbm>> -> memref<640xi32, #tpu.memory_space<hbm>>
      tpu.enqueue_dma source(%dma_start3A_861 : memref<640xi32, #tpu.memory_space<hbm>>) target(%arg7 : memref<640xi32, #tpu.memory_space<vmem>>) target_semaphore(%arg13 : memref<!tpu.dma_semaphore, #tpu.memory_space<semaphore_mem>>)
      %sub3A_862 = arith.constant 1 : i32
      %sub3A_863 = arith.subi %add3A_762, %sub3A_862 : i32
      %mul3A_864 = arith.constant 640 : i32
      %mul3A_865 = arith.muli %sub3A_863, %mul3A_864 : i32
      %add3A_866 = arith.addi %mul3A_2, %mul3A_865 : i32
      %dma_start3A_867 = arith.constant 0 : i32
      %dma_start3A_868 = tpu.memref_slice %arg4[%add3A_866, %dma_start3A_867] : memref<819200x64xf32, #tpu.memory_space<hbm>> -> memref<640x64xf32, #tpu.memory_space<hbm>>
      %dma_start3A_869 = arith.constant 0 : i32
      %dma_start3A_870 = tpu.memref_slice %arg4[%add3A_866, %dma_start3A_869] : memref<819200x64xf32, #tpu.memory_space<hbm>> -> memref<640x64xf32, #tpu.memory_space<hbm>>
      tpu.enqueue_dma source(%arg9 : memref<640x64xf32, #tpu.memory_space<vmem>>) target(%dma_start3A_870 : memref<640x64xf32, #tpu.memory_space<hbm>>) target_semaphore(%arg17 : memref<!tpu.dma_semaphore, #tpu.memory_space<semaphore_mem>>)
    }
    %scan3A_359 = arith.constant 9 : i32
    %dma_wait3A_360 = arith.constant 0 : i32
    %dma_wait3A_361 = arith.constant 0 : i32
    %dma_wait3A_362 = tpu.memref_slice %arg10[%dma_wait3A_360, %dma_wait3A_361] : memref<640x64xf32, #tpu.memory_space<vmem>> -> memref<128x64xf32, #tpu.memory_space<vmem>>
    %dma_wait3A_363 = arith.constant 0 : i32
    %dma_wait3A_364 = tpu.memref_slice %arg8[%dma_wait3A_363] : memref<640xi32, #tpu.memory_space<vmem>> -> memref<128xi32, #tpu.memory_space<vmem>>
    %dma_wait3A_365 = arith.constant 0 : i32
    %dma_wait3A_366 = arith.constant 0 : i32
    %dma_wait3A_367 = tpu.memref_slice %arg2[%dma_wait3A_365, %dma_wait3A_366] : memref<100000x64xf32, #tpu.memory_space<hbm>> -> memref<100000x64xf32, #tpu.memory_space<hbm>>
    tpu.wait_indirect_dma semaphore(%arg16 : memref<!tpu.dma_semaphore, #tpu.memory_space<semaphore_mem>>) src(%dma_wait3A_367 : memref<100000x64xf32, #tpu.memory_space<hbm>>) dst(%dma_wait3A_362 : memref<128x64xf32, #tpu.memory_space<vmem>>)
    %dma_wait3A_368 = arith.constant 128 : i32
    %dma_wait3A_369 = arith.constant 0 : i32
    %dma_wait3A_370 = tpu.memref_slice %arg10[%dma_wait3A_368, %dma_wait3A_369] : memref<640x64xf32, #tpu.memory_space<vmem>> -> memref<128x64xf32, #tpu.memory_space<vmem>>
    %dma_wait3A_371 = arith.constant 128 : i32
    %dma_wait3A_372 = tpu.memref_slice %arg8[%dma_wait3A_371] : memref<640xi32, #tpu.memory_space<vmem>> -> memref<128xi32, #tpu.memory_space<vmem>>
    %dma_wait3A_373 = arith.constant 0 : i32
    %dma_wait3A_374 = arith.constant 0 : i32
    %dma_wait3A_375 = tpu.memref_slice %arg2[%dma_wait3A_373, %dma_wait3A_374] : memref<100000x64xf32, #tpu.memory_space<hbm>> -> memref<100000x64xf32, #tpu.memory_space<hbm>>
    tpu.wait_indirect_dma semaphore(%arg16 : memref<!tpu.dma_semaphore, #tpu.memory_space<semaphore_mem>>) src(%dma_wait3A_375 : memref<100000x64xf32, #tpu.memory_space<hbm>>) dst(%dma_wait3A_370 : memref<128x64xf32, #tpu.memory_space<vmem>>)
    %dma_wait3A_376 = arith.constant 256 : i32
    %dma_wait3A_377 = arith.constant 0 : i32
    %dma_wait3A_378 = tpu.memref_slice %arg10[%dma_wait3A_376, %dma_wait3A_377] : memref<640x64xf32, #tpu.memory_space<vmem>> -> memref<128x64xf32, #tpu.memory_space<vmem>>
    %dma_wait3A_379 = arith.constant 256 : i32
    %dma_wait3A_380 = tpu.memref_slice %arg8[%dma_wait3A_379] : memref<640xi32, #tpu.memory_space<vmem>> -> memref<128xi32, #tpu.memory_space<vmem>>
    %dma_wait3A_381 = arith.constant 0 : i32
    %dma_wait3A_382 = arith.constant 0 : i32
    %dma_wait3A_383 = tpu.memref_slice %arg2[%dma_wait3A_381, %dma_wait3A_382] : memref<100000x64xf32, #tpu.memory_space<hbm>> -> memref<100000x64xf32, #tpu.memory_space<hbm>>
    tpu.wait_indirect_dma semaphore(%arg16 : memref<!tpu.dma_semaphore, #tpu.memory_space<semaphore_mem>>) src(%dma_wait3A_383 : memref<100000x64xf32, #tpu.memory_space<hbm>>) dst(%dma_wait3A_378 : memref<128x64xf32, #tpu.memory_space<vmem>>)
    %dma_wait3A_384 = arith.constant 384 : i32
    %dma_wait3A_385 = arith.constant 0 : i32
    %dma_wait3A_386 = tpu.memref_slice %arg10[%dma_wait3A_384, %dma_wait3A_385] : memref<640x64xf32, #tpu.memory_space<vmem>> -> memref<128x64xf32, #tpu.memory_space<vmem>>
    %dma_wait3A_387 = arith.constant 384 : i32
    %dma_wait3A_388 = tpu.memref_slice %arg8[%dma_wait3A_387] : memref<640xi32, #tpu.memory_space<vmem>> -> memref<128xi32, #tpu.memory_space<vmem>>
    %dma_wait3A_389 = arith.constant 0 : i32
    %dma_wait3A_390 = arith.constant 0 : i32
    %dma_wait3A_391 = tpu.memref_slice %arg2[%dma_wait3A_389, %dma_wait3A_390] : memref<100000x64xf32, #tpu.memory_space<hbm>> -> memref<100000x64xf32, #tpu.memory_space<hbm>>
    tpu.wait_indirect_dma semaphore(%arg16 : memref<!tpu.dma_semaphore, #tpu.memory_space<semaphore_mem>>) src(%dma_wait3A_391 : memref<100000x64xf32, #tpu.memory_space<hbm>>) dst(%dma_wait3A_386 : memref<128x64xf32, #tpu.memory_space<vmem>>)
    %dma_wait3A_392 = arith.constant 512 : i32
    %dma_wait3A_393 = arith.constant 0 : i32
    %dma_wait3A_394 = tpu.memref_slice %arg10[%dma_wait3A_392, %dma_wait3A_393] : memref<640x64xf32, #tpu.memory_space<vmem>> -> memref<128x64xf32, #tpu.memory_space<vmem>>
    %dma_wait3A_395 = arith.constant 512 : i32
    %dma_wait3A_396 = tpu.memref_slice %arg8[%dma_wait3A_395] : memref<640xi32, #tpu.memory_space<vmem>> -> memref<128xi32, #tpu.memory_space<vmem>>
    %dma_wait3A_397 = arith.constant 0 : i32
    %dma_wait3A_398 = arith.constant 0 : i32
    %dma_wait3A_399 = tpu.memref_slice %arg2[%dma_wait3A_397, %dma_wait3A_398] : memref<100000x64xf32, #tpu.memory_space<hbm>> -> memref<100000x64xf32, #tpu.memory_space<hbm>>
    tpu.wait_indirect_dma semaphore(%arg16 : memref<!tpu.dma_semaphore, #tpu.memory_space<semaphore_mem>>) src(%dma_wait3A_399 : memref<100000x64xf32, #tpu.memory_space<hbm>>) dst(%dma_wait3A_394 : memref<128x64xf32, #tpu.memory_space<vmem>>)
    %add3A_400 = arith.constant 24960 : i32
    %add3A_401 = arith.addi %mul3A_2, %add3A_400 : i32
    %dma_start3A_402 = arith.constant 0 : i32
    %dma_start3A_403 = tpu.memref_slice %arg4[%add3A_401, %dma_start3A_402] : memref<819200x64xf32, #tpu.memory_space<hbm>> -> memref<640x64xf32, #tpu.memory_space<hbm>>
    %dma_start3A_404 = arith.constant 0 : i32
    %dma_start3A_405 = tpu.memref_slice %arg4[%add3A_401, %dma_start3A_404] : memref<819200x64xf32, #tpu.memory_space<hbm>> -> memref<640x64xf32, #tpu.memory_space<hbm>>
    tpu.enqueue_dma source(%arg10 : memref<640x64xf32, #tpu.memory_space<vmem>>) target(%dma_start3A_405 : memref<640x64xf32, #tpu.memory_space<hbm>>) target_semaphore(%arg18 : memref<!tpu.dma_semaphore, #tpu.memory_space<semaphore_mem>>)
    %dma_wait3A_406 = arith.constant 0 : i32
    %dma_wait3A_407 = arith.constant 0 : i32
    %dma_wait3A_408 = tpu.memref_slice %arg4[%dma_wait3A_406, %dma_wait3A_407] : memref<819200x64xf32, #tpu.memory_space<hbm>> -> memref<640x64xf32, #tpu.memory_space<hbm>>
    %dma_wait3A_409 = arith.constant 0 : i32
    %dma_wait3A_410 = arith.constant 0 : i32
    %dma_wait3A_411 = tpu.memref_slice %arg4[%dma_wait3A_409, %dma_wait3A_410] : memref<819200x64xf32, #tpu.memory_space<hbm>> -> memref<640x64xf32, #tpu.memory_space<hbm>>
    tpu.wait_dma2 semaphore(%arg17 : memref<!tpu.dma_semaphore, #tpu.memory_space<semaphore_mem>>) src(%arg9 : memref<640x64xf32, #tpu.memory_space<vmem>>) dst(%dma_wait3A_411 : memref<640x64xf32, #tpu.memory_space<hbm>>)
    %dma_wait3A_412 = arith.constant 0 : i32
    %dma_wait3A_413 = arith.constant 0 : i32
    %dma_wait3A_414 = tpu.memref_slice %arg4[%dma_wait3A_412, %dma_wait3A_413] : memref<819200x64xf32, #tpu.memory_space<hbm>> -> memref<640x64xf32, #tpu.memory_space<hbm>>
    %dma_wait3A_415 = arith.constant 0 : i32
    %dma_wait3A_416 = arith.constant 0 : i32
    %dma_wait3A_417 = tpu.memref_slice %arg4[%dma_wait3A_415, %dma_wait3A_416] : memref<819200x64xf32, #tpu.memory_space<hbm>> -> memref<640x64xf32, #tpu.memory_space<hbm>>
    tpu.wait_dma2 semaphore(%arg18 : memref<!tpu.dma_semaphore, #tpu.memory_space<semaphore_mem>>) src(%arg10 : memref<640x64xf32, #tpu.memory_space<vmem>>) dst(%dma_wait3A_417 : memref<640x64xf32, #tpu.memory_space<hbm>>)
    %dma_wait3A_418 = arith.constant 0 : i32
    %dma_wait3A_419 = tpu.memref_slice %arg3[%dma_wait3A_418] : memref<819200xi32, #tpu.memory_space<hbm>> -> memref<640xi32, #tpu.memory_space<hbm>>
    %dma_wait3A_420 = arith.constant 0 : i32
    %dma_wait3A_421 = tpu.memref_slice %arg3[%dma_wait3A_420] : memref<819200xi32, #tpu.memory_space<hbm>> -> memref<640xi32, #tpu.memory_space<hbm>>
    tpu.wait_dma2 semaphore(%arg11 : memref<!tpu.dma_semaphore, #tpu.memory_space<semaphore_mem>>) src(%dma_wait3A_421 : memref<640xi32, #tpu.memory_space<hbm>>) dst(%arg5 : memref<640xi32, #tpu.memory_space<vmem>>)
    %dma_wait3A_422 = arith.constant 0 : i32
    %dma_wait3A_423 = tpu.memref_slice %arg3[%dma_wait3A_422] : memref<819200xi32, #tpu.memory_space<hbm>> -> memref<640xi32, #tpu.memory_space<hbm>>
    %dma_wait3A_424 = arith.constant 0 : i32
    %dma_wait3A_425 = tpu.memref_slice %arg3[%dma_wait3A_424] : memref<819200xi32, #tpu.memory_space<hbm>> -> memref<640xi32, #tpu.memory_space<hbm>>
    tpu.wait_dma2 semaphore(%arg12 : memref<!tpu.dma_semaphore, #tpu.memory_space<semaphore_mem>>) src(%dma_wait3A_425 : memref<640xi32, #tpu.memory_space<hbm>>) dst(%arg6 : memref<640xi32, #tpu.memory_space<vmem>>)
    %dma_wait3A_426 = arith.constant 0 : i32
    %dma_wait3A_427 = tpu.memref_slice %arg3[%dma_wait3A_426] : memref<819200xi32, #tpu.memory_space<hbm>> -> memref<640xi32, #tpu.memory_space<hbm>>
    %dma_wait3A_428 = arith.constant 0 : i32
    %dma_wait3A_429 = tpu.memref_slice %arg3[%dma_wait3A_428] : memref<819200xi32, #tpu.memory_space<hbm>> -> memref<640xi32, #tpu.memory_space<hbm>>
    tpu.wait_dma2 semaphore(%arg13 : memref<!tpu.dma_semaphore, #tpu.memory_space<semaphore_mem>>) src(%dma_wait3A_429 : memref<640xi32, #tpu.memory_space<hbm>>) dst(%arg7 : memref<640xi32, #tpu.memory_space<vmem>>)
    return
  }
}

</mosaic_0001>

<sc_bundles>
// kernel: _sc_gather.3.cloned.1.call-start
scs
__scs_entry_jumppad:
0x0: {  	(pc) =	sbr.rel $0x88, $3  }
0x1: {  	(tag) =	ssettag $0x0;
	lr =	simm.s32 $0x1  }
0x2: {  	[smem:$0x3F9F] =	sst lr;
	_ =	strace $0xD0000000  }
0x3: {  	_ = 	snop  }
0x4: {  	_ = 	snop  }
0x5: {  	_ = 	snop  }
0x6: {  	_ = 	snop  }
0x7: {  	_ = 	snop  }
__scs_overlays_trampoline_lowered:
0x8: {  	[smem:$0x3FAE] =	sst s0  }
0x9: {  	[smem:$0x3FAF] =	sst s1  }
0xa: {  	[smem:$0x3FB0] =	sst s2  }
0xb: {  	[smem:$0x3FB1] =	sst s3  }
0xc: {  	[smem:$0x3FB2] =	sst s4  }
0xd: {  	[smem:$0x3FB3] =	sst s5  }
0xe: {  	[smem:$0x3FB4] =	sst s6  }
0xf: {  	[smem:$0x3FB5] =	sst s7  }
0x10: {  	[smem:$0x3FB6] =	sst s8  }
0x11: {  	[smem:$0x3FB7] =	sst s9;
	s0 =	simm.s32 @!p0 $0x0  }
0x12: {  	s1 =	sld [smem:$0x3F9D];
	s0 =	simm.s32 @p0 $0x1  }
0x13: {  	[smem:$0x3FB8] =	sst s0;
	s0 =	simm.s32 @!p1 $0x0  }
0x14: {  	s2 =	sld [smem:$0x3F9C];
	s0 =	simm.s32 @p1 $0x1  }
0x15: {  	[smem:$0x3FB9] =	sst s0;
	s0 =	simm.s32 @!p2 $0x0  }
0x16: {  	s3 =	sld [smem:$0x3FDB];
	s0 =	simm.s32 @p2 $0x1  }
0x17: {  	s4 =	simm.s32 $0x1BF5;
	[smem:$0x3FBB] =	sst s0  }
0x18: {  	s0 =	sld [smem:$0x3F9E];
	_ =	swait.ge [sflag:s4], $0x0  }
0x19: {  	s7 =	sld [smem:$0x3F9F]  }
0x1a: {  	s8 =	sadd.s32 $0xFFFFE003, lr  }
0x1b: {  	s9 =	sadd.s32 $0xFFFFFEF7, lr;
	s5 =	simm.s32 $0xFFFFFFFF;
	p2 =	slt.u32 s8, $0xFFFFF086  }
0x1c: {  	p1 =	slt.u32 s9, $0xF7A;
	s5 =	simm.s32 @!p2 $0x0  }
0x1d: {  	s5 =	simm.s32 @p1 $0x1;
	p0 =	seq.s32 s7, s2  }
0x1e: {  	s7 =	smul.u32 @!p0 $0xF7A, s2;
	p2 =	seq.s32 @!p0 s5, $0x0  }
0x1f: {  	s9 =	smul.u32 $0xF7A, s1;
	s8 =	simm.s32 @!p0 $0x1BF5;
	p2 =	por !p2, p0  }
0x20: {  	[sflag:s8] =	ssyncset.s32 @!p0 $0xFFFFF086;
	s6 =	sadd.s32 @!p0 s3, s7;
	s7 =	simm.s32 @!p0 $0x108  }
0x21: {  	s3 =	sadd.s32 s3, s9;
	s6 =	sadd.s32 @!p0 $0x88, s6;
	s7 =	simm.s32 @p2 $0x1082  }
0x22: {  	[simem:s7], [sflag:s8] =	dma.local @!p0 [hbm:s6], $0xF7A  }
0x23: {  	s9 =	sor.u32 $0xD0000000, s2;
	s6 =	simm.s32 $0x108;
	_ =	swait.ge @!p0 [sflag:s8], $0x0  }
0x24: {  	s3 =	sadd.s32 $0x88, s3;
	s6 =	simm.s32 @!p1 $0x1082;
	[sflag:s4] =	ssyncset.s32 $0xFFFFF086  }
0x25: {  	[simem:s6], [sflag:s4] =	dma.local [hbm:s3], $0xF7A  }
0x26: {  	[smem:$0x3F9F] =	sst s1;
	(tag) =	ssettag s2;
	_ =	strace s9  }
0x27: {  	s1 =	sld [smem:$0x3FAF]  }
0x28: {  	s2 =	sld [smem:$0x3FB0]  }
0x29: {  	s4 =	sld [smem:$0x3FB2]  }
0x2a: {  	p0 =	seq.s32 s5, $0x0;
	s5 =	sld [smem:$0x3FB3]  }
0x2b: {  	s6 =	sld [smem:$0x3FB4]  }
0x2c: {  	s7 =	sld [smem:$0x3FB5]  }
0x2d: {  	s3 =	simm.s32 $0x108;
	s8 =	sld [smem:$0x3FB6]  }
0x2e: {  	s3 =	simm.s32 @!p0 $0x1082;
	s9 =	sld [smem:$0x3FB7]  }
0x2f: {  	lr =	sadd.s32 s0, s3;
	s0 =	sld [smem:$0x3FAE]  }
0x30: {  	s3 =	sld [smem:$0x3FB1]  }
0x31: {  	[smem:$0x3FBA] =	sst s10  }
0x32: {  	s10 =	sld [smem:$0x3FB8];
	_ =	sdelay $0x3  }
0x33: {  	p0 =	seq.s32 s10, $0x1;
	s10 =	sld [smem:$0x3FBA];
	_ =	sdelay $0x3  }
0x34: {  	[smem:$0x3FBA] =	sst s10  }
0x35: {  	s10 =	sld [smem:$0x3FB9];
	_ =	sdelay $0x3  }
0x36: {  	p1 =	seq.s32 s10, $0x1;
	s10 =	sld [smem:$0x3FBA];
	_ =	sdelay $0x3  }
0x37: {  	[smem:$0x3FBA] =	sst s10  }
0x38: {  	s10 =	sld [smem:$0x3FBB]  }
0x39: {  	_ = 	snop;
	(pc) =	sbr.ind lr, $3  }
0x3a: {  	_ = 	snop  }
0x3b: {  	_ = 	snop  }
0x3c: {  	p2 =	seq.s32 s10, $0x1;
	s10 =	sld [smem:$0x3FBA]  }
0x3d: {  	_ =	shalt  }
0x3e: {  	_ =	shalt  }
0x3f: {  	_ =	shalt  }
0x40: {  	_ =	shalt  }
0x41: {  	_ =	shalt  }
0x42: {  	_ =	shalt  }
0x43: {  	_ =	shalt  }
0x44: {  	_ =	shalt  }
0x45: {  	_ =	shalt  }
0x46: {  	_ =	shalt  }
0x47: {  	_ =	shalt  }
0x48: {  	_ =	shalt  }
0x49: {  	_ =	shalt  }
0x4a: {  	_ =	shalt  }
0x4b: {  	_ =	shalt  }
0x4c: {  	_ =	shalt  }
0x4d: {  	_ =	shalt  }
0x4e: {  	_ =	shalt  }
0x4f: {  	_ =	shalt  }
0x50: {  	_ =	shalt  }
0x51: {  	_ =	shalt  }
0x52: {  	_ =	shalt  }
0x53: {  	_ =	shalt  }
0x54: {  	_ =	shalt  }
0x55: {  	_ =	shalt  }
0x56: {  	_ =	shalt  }
0x57: {  	_ =	shalt  }
0x58: {  	_ =	shalt  }
0x59: {  	_ =	shalt  }
0x5a: {  	_ =	shalt  }
0x5b: {  	_ =	shalt  }
0x5c: {  	_ =	shalt  }
0x5d: {  	_ =	shalt  }
0x5e: {  	_ =	shalt  }
0x5f: {  	_ =	shalt  }
0x60: {  	_ =	shalt  }
0x61: {  	_ =	shalt  }
0x62: {  	_ =	shalt  }
0x63: {  	_ =	shalt  }
0x64: {  	_ =	shalt  }
0x65: {  	_ =	shalt  }
0x66: {  	_ =	shalt  }
0x67: {  	_ =	shalt  }
0x68: {  	_ =	shalt  }
0x69: {  	_ =	shalt  }
0x6a: {  	_ =	shalt  }
0x6b: {  	_ =	shalt  }
0x6c: {  	_ =	shalt  }
0x6d: {  	_ =	shalt  }
0x6e: {  	_ =	shalt  }
0x6f: {  	_ =	shalt  }
0x70: {  	_ =	shalt  }
0x71: {  	_ =	shalt  }
0x72: {  	_ =	shalt  }
0x73: {  	_ =	shalt  }
0x74: {  	_ =	shalt  }
0x75: {  	_ =	shalt  }
0x76: {  	_ =	shalt  }
0x77: {  	_ =	shalt  }
0x78: {  	_ =	shalt  }
0x79: {  	_ =	shalt  }
0x7a: {  	_ =	shalt  }
0x7b: {  	_ =	shalt  }
0x7c: {  	_ =	shalt  }
0x7d: {  	_ =	shalt  }
0x7e: {  	_ =	shalt  }
0x7f: {  	_ =	shalt  }
0x80: {  	_ =	shalt  }
0x81: {  	_ =	shalt  }
0x82: {  	_ =	shalt  }
0x83: {  	_ =	shalt  }
0x84: {  	_ =	shalt  }
0x85: {  	_ =	shalt  }
0x86: {  	_ =	shalt  }
0x87: {  	_ =	shalt  }
.Lfunc_end0:
.L_simem_size_0:
called_computation.1_lowered:
.L_overlay_start_0:
0x88: {  	s2 =	sld [smem:$0x3FD9]  }
0x89: {  	s3 =	sld [smem:$0x3FFE];
	_ =	sdelay $0x1  }
0x8a: {  	s1 =	srdreg.scid  }
0x8b: {  	s0 =	sand.u32 $0x1, s1  }
0x8c: {  	s17 =	sshll.u32 s0, $0xA;
	s2 =	sadd.s32 s3, s2  }
0x8d: {  	s2 =	sadd.s32 s2, s17  }
0x8e: {  	[smem:$0x3FC6] =	sst s2  }
0x8f: {  	_ = 	snop  }
0x90: {  	s2 =	sld [smem:$0x3FC8]  }
0x91: {  	s18 =	sld [smem:$0x3FD0];
	(tm) =	ssettm $0x1  }
0x92: {  	s4 =	sld [smem:$0x3FFB];
	_ =	sdelay $0x3  }
0x93: {  	_ =	strace s4  }
0x94: {  	s4 =	sld [smem:$0x3FFC];
	_ =	sdelay $0x3  }
0x95: {  	_ =	strace s4  }
0x96: {  	s4 =	sld [smem:$0x3FFD];
	_ =	sdelay $0x3  }
0x97: {  	_ =	strace s4  }
0x98: {  	_ =	strace $0x8FFFFFFF  }
0x99: {  	s19 =	sld [smem:$0x3FDB];
	_ =	sdelay $0x1  }
0x9a: {  	s5 =	simm.s32 $_scs_section_size  }
0x9b: {  	s6 =	simm.s32 $_size__tile_overlayer_lowered;
	s7 =	simm.s32 $_tile_overlayer_lowered  }
0x9c: {  	s22 =	simm.s32 $0x1BFF;
	s21 =	sshll.u32 s7, $0x1;
	s4 =	sadd.s32 s5, s19  }
0x9d: {  	s8 =	simm.s32 $0x0;
	s20 =	sshll.u32 s6, $0x1;
	s6 =	sadd.s32 s21, s4  }
0x9e: {  	[timem:s8], [sflag:s22] =	dma.local [hbm:s6], s20  }
0x9f: {  	_ =	swait.ge [sflag:s22], s20  }
0xa0: {  	s5 =	ssub.s32 $0x0, s20;
	[sflag:s22] =	ssyncset.done $0x0  }
0xa1: {  	[sflag:s22] =	ssyncadd.s32 s5;
	_ =	sdelay $0x1  }
0xa2: {  	s23 =	simm.s32 $0x1B8B  }
0xa3: {  	_ =	swait.ge [sflag:s23], $0x1  }
0xa4: {  	[sflag:s23] =	ssyncset.done $0x0  }
0xa5: {  	s25 =	simm.s32 $0x1B8E;
	s24 =	sld [smem:$0x3FFE];
	[sflag:s23] =	ssyncadd.s32 $0xFFFFFFFF  }
0xa6: {  	s26 =	simm.s32 $execute0_lowered;
	[smem:$0x3FD2] =	sst s25  }
0xa7: {  	s6 =	sshll.u32 s26, $0x1;
	_ =	strace $0x80000046;
	[dreg:$0x1] =	wrdreg $0xFFFFFFFF  }
0xa8: {  	s28 =	simm.s32 $_size_execute0_lowered;
	s4 =	sadd.s32 s4, s6;
	[dreg:$0x0] =	wrdreg $0x0  }
0xa9: {  	s6 =	sshll.u32 s28, $0x1;
	[dreg:$0x2] =	wrdreg s4  }
0xaa: {  	[dreg:$0x3] =	wrdreg s6  }
0xab: {  	[dreg:$0x4] =	wrdreg $0xC0  }
0xac: {  	_ =	task [dreg:s8], $0x5FFFF  }
0xad: {  	[dreg:$0x1] =	wrdreg $0xFFFFFFFF  }
0xae: {  	[dreg:$0x0] =	wrdreg $0x60  }
0xaf: {  	[dreg:$0x2] =	wrdreg s24  }
0xb0: {  	[dreg:$0x3] =	wrdreg s2  }
0xb1: {  	[dreg:$0x4] =	wrdreg s18  }
0xb2: {  	[dreg:$0x5] =	wrdreg $0x9  }
0xb3: {  	_ =	task.clear_ibuf [dreg:s8], $0x6FFFF;
	_ =	strace $0x90000046  }
0xb4: {  	s29 =	simm.s32 $0x9;
	_ =	strace $0x80000048  }
0xb5: {  	_ =	swait.ge [sflag:s29], $0x1  }
0xb6: {  	[sflag:s29] =	ssyncadd.s32 $0xFFFFFFFF  }
0xb7: {  	_ =	strace $0x90000048  }
0xb8: {  	_ =	sfence  }
0xb9: {  	s30 =	sld [smem:$0x0];
	_ =	sdelay $0x2  }
0xba: {  	s31 =	sshll.u32 s1, $0xD;
	s1 =	sshrl.u32 s1, $0x2  }
0xbb: {  	s3 =	sand.u32 $0x4000, s31;
	s1 =	sadd.s32 s1, s30  }
0xbc: {  	s0 =	sor.u32 s3, s0;
	s1 =	sshll.u32 s1, $0x11  }
0xbd: {  	s0 =	sor.u32 s1, s0  }
0xbe: {  	s0 =	sadd.s32 $0x8F2B, s0  }
0xbf: {  	[sflag:s0] =	ssyncadd.remote.s32 $0x1  }
0xc0: {  	_ =	sfence.sel $0xFFFF  }
0xc1: {  	[dreg:$0x0] =	wrdreg $0xFFFFFFFF;
	(pc) =	sbr.abs _section_cstart, $3  }
0xc2: {  	[dreg:$0x1] =	wrdreg $0xFFFFFFFF  }
0xc3: {  	_ =	task.clear_ibuf [dreg:s8], $0x2FFFF;
	_ =	strace $0x9FFFFFFF  }
0xc4: {  	(tm) =	ssettm $0x7FFFFFFF  }
0xc5: {  	_ =	shalt  }
tec
execute0_lowered:
.L_overlay_start_1:
0x0: {  	(tag) =	ssettag $0x1  }
0x1: {  	s0 =	rddreg [dreg:$0x0]  }
0x2: {  	s20 =	rddreg [dreg:$0x1]  }
0x3: {  	s1 =	rddreg [dreg:$0x2]  }
0x4: {  	s3 =	srdreg.scid;
	s12 =	stileid.u32;
	s2 =	simm.s32 $0x0  }
0x5: {  	s29 =	simm.s32 $0x80;
	s28 =	simm.s32 $0x10A00;
	s5 =	sand.u32 $0x1, s3  }
0x6: {  	s4 =	sshll.u32 s12, $0x1;
	[smem:$0x7FF] =	sst s2;
	s14 =	smul.u32 $0xC800, s12  }
0x7: {  	s6 =	ssub.s32 $0x2, s5;
	s7 =	sor.u32 s5, s4;
	s5 =	smul.u32 $0x6400, s5  }
0x8: {  	s12 =	simm.s32 $0x500;
	_ =	strace $0x80000047;
	s9 =	smul.u32 $0x6400, s7  }
0x9: {  	s4 =	sadd.s32 $0x800, s0;
	s8 =	sshrl.u32 s6, $0x1;
	s30 =	smul.u32 $0x32000, s7  }
0xa: {  	s3 =	smul.u32 $0x190000, s7;
	s0 =	ssub.s32 s6, s8;
	s5 =	sadd.s32 s5, s14  }
0xb: {  	s14 =	simm.s32 $0x780;
	s21 =	sshrl.u32 s9, $0x3;
	s22 =	sor.u32 $0x280, s9  }
0xc: {  	s10 =	sadd.s32 $0x500, s9;
	s2 =	sadd.s32 $0xA00, s9;
	s31 =	sadd.s32 $0xF00, s9  }
0xd: {  	s18 =	sshll.u32 s5, $0x3;
	s0 =	smax.u32 s0, $0x1;
	s13 =	sadd.s32 s20, s21  }
0xe: {  	s23 =	sshrl.u32 s22, $0x3;
	s11 =	sshrl.u32 s10, $0x3;
	s26 =	sshrl.u32 s2, $0x3  }
0xf: {  	s8 =	sshll.u32 s22, $0x3;
	s16 =	sshrl.u32 s31, $0x3;
	s17 =	sshll.u32 s10, $0x3  }
0x10: {  	s19 =	sadd.s32 $0x20003C00, s18;
	[dreg:$0x11] =	wrdreg s0;
	s21 =	sadd.s32 s1, s18  }
0x11: {  	s10 =	simm.s32 $0x180;
	s6 =	sadd.s32 s20, s23;
	[dreg:$0x6] =	wrdreg s13  }
0x12: {  	s18 =	simm.s32 $0x6A00;
	s24 =	sadd.s32 s20, s11;
	[dreg:$0x7] =	wrdreg s6  }
0x13: {  	s25 =	sadd.s32 $0xF0, s13;
	s11 =	sadd.s32 s1, s30;
	[dreg:$0x8] =	wrdreg s24  }
0x14: {  	s15 =	sadd.s32 s1, s8;
	s22 =	sadd.s32 $0x5000, s21;
	[dreg:$0x9] =	wrdreg s25  }
0x15: {  	s23 =	sadd.s32 $0x1180, s5;
	s0 =	sadd.s32 $0x7800, s21;
	[dreg:$0xb] =	wrdreg s11  }
0x16: {  	s30 =	smov.u32 s2;
	s2 =	simm.s32 $0x8A00;
	[dreg:$0xd] =	wrdreg s15  }
0x17: {  	s6 =	sadd.s32 s20, s26;
	s26 =	sadd.s32 $0xC80, s9;
	[dreg:$0x12] =	wrdreg s22  }
0x18: {  	s24 =	sadd.s32 $0x6400, s21;
	[dreg:$0x15] =	wrdreg s0;
	s25 =	sshrl.u32 s23, $0x3  }
0x19: {  	s9 =	simm.s32 $0x280;
	s11 =	simm.s32 $0x200;
	s23 =	simm.s32 $0xCA00  }
0x1a: {  	s22 =	simm.s32 $0x380;
	s15 =	simm.s32 $0x12A00;
	[dreg:$0x4] =	wrdreg s30  }
0x1b: {  	[dreg:$0xa] =	wrdreg s6;
	s13 =	sshrl.u32 s26, $0x3;
	s6 =	sshrl.u32 s3, $0x3  }
0x1c: {  	[dreg:$0x14] =	wrdreg s24;
	s0 =	sadd.s32 s25, s20;
	s25 =	simm.s32 $0x300  }
0x1d: {  	s24 =	simm.s32 $0x5;
	[dreg:$0x5] =	wrdreg s26;
	s7 =	sadd.s32 s20, s13  }
0x1e: {  	s6 =	sadd.s32 s1, s6;
	[dreg:$0x16] =	wrdreg s0;
	s13 =	simm.s32 $0x100  }
0x1f: {  	[dreg:$0xc] =	wrdreg s7;
	s7 =	sadd.s32 s20, s16;
	s6 =	sadd.s32 $0x30C00, s6  }
0x20: {  	s16 =	simm.s32 $0x2A00;
	[dreg:$0xe] =	wrdreg s7;
	s7 =	sadd.s32 s1, s17  }
0x21: {  	[dreg:$0x10] =	wrdreg s6;
	s6 =	sand.u32 $0x1FFFC00, s19;
	s17 =	simm.s32 $0x4A00  }
0x22: {  	s19 =	simm.s32 $0x6;
	[dreg:$0xf] =	wrdreg s7;
	s1 =	sadd.s32 s6, s1  }
0x23: {  	s6 =	simm.s32 $0xEA00;
	s7 =	simm.s32 $0x0;
	[dreg:$0x13] =	wrdreg s1  }
.LBB2_1:
0x24: {  	[dreg:$0x17] =	wrdreg s7  }
0x25: {  	s8 =	rddreg [dreg:$0x6];
	s21 =	simm.s32 $0x0  }
0x26: {  	[tilespmem:s21], [sflag:$0x1] =	stream.linear.gather [hbm4b:s8+s21], $0x280, $0x38;
	[tilespmem:$0x14A00] =	vst v63  }
0x27: {  	s30 =	rddreg [dreg:$0x7]  }
0x28: {  	[tilespmem:s9], [sflag:$0x2] =	stream.linear.gather [hbm4b:s30+s21], $0x280, $0x38;
	[tilespmem:$0x14A00] =	vst v63  }
0x29: {  	s0 =	rddreg [dreg:$0x8];
	s8 =	simm.s32 $0x1  }
0x2a: {  	[tilespmem:s12], [sflag:$0x3] =	stream.linear.gather [hbm4b:s0+s21], $0x280, $0x38;
	[tilespmem:$0x14A00] =	vst v63  }
0x2b: {  	_ =	swait.ge [sflag:s8], $0x280  }
0x2c: {  	[sflag:s8] =	ssyncset.done $0x0  }
0x2d: {  	s30 =	simm.s32 $0xA00;
	[sflag:s8] =	ssyncadd.s32 $0xFFFFFD80  }
0x2e: {  	[tilespmem:s30], [sflag:$0x5] =	stream.indirect.gather [hbm4b:s4+s29], $0x40, s21, s29, $0xb8;
	[tilespmem:$0x14A00] =	vst v63  }
0x2f: {  	_ = 	snop  }
0x30: {  	[tilespmem:s16], [sflag:$0x5] =	stream.indirect.gather [hbm4b:s4+s29], $0x40, s29, s29, $0xb8;
	[tilespmem:$0x14A00] =	vst v63  }
0x31: {  	_ = 	snop  }
0x32: {  	[tilespmem:s17], [sflag:$0x5] =	stream.indirect.gather [hbm4b:s4+s29], $0x40, s13, s29, $0xb8;
	[tilespmem:$0x14A00] =	vst v63  }
0x33: {  	_ = 	snop  }
0x34: {  	[tilespmem:s18], [sflag:$0x5] =	stream.indirect.gather [hbm4b:s4+s29], $0x40, s10, s29, $0xb8;
	[tilespmem:$0x14A00] =	vst v63  }
0x35: {  	_ = 	snop  }
0x36: {  	[tilespmem:s2], [sflag:$0x5] =	stream.indirect.gather [hbm4b:s4+s29], $0x40, s11, s29, $0xb8;
	[tilespmem:$0x14A00] =	vst v63  }
0x37: {  	s7 =	simm.s32 $0x2;
	s1 =	rddreg [dreg:$0x9]  }
0x38: {  	[tilespmem:s14], [sflag:$0x4] =	stream.linear.gather [hbm4b:s1+s21], $0x280, $0x38;
	[tilespmem:$0x14A00] =	vst v63  }
0x39: {  	_ =	swait.ge [sflag:s7], $0x280  }
0x3a: {  	[sflag:s7] =	ssyncset.done $0x0  }
0x3b: {  	s5 =	simm.s32 $0xAA00;
	[sflag:s7] =	ssyncadd.s32 $0xFFFFFD80  }
0x3c: {  	[tilespmem:s5], [sflag:$0x6] =	stream.indirect.gather [hbm4b:s4+s29], $0x40, s9, s29, $0xb8;
	[tilespmem:$0x14A00] =	vst v63  }
0x3d: {  	_ = 	snop  }
0x3e: {  	[tilespmem:s23], [sflag:$0x6] =	stream.indirect.gather [hbm4b:s4+s29], $0x40, s25, s29, $0xb8;
	[tilespmem:$0x14A00] =	vst v63  }
0x3f: {  	_ = 	snop  }
0x40: {  	[tilespmem:s6], [sflag:$0x6] =	stream.indirect.gather [hbm4b:s4+s29], $0x40, s22, s29, $0xb8;
	[tilespmem:$0x14A00] =	vst v63  }
0x41: {  	s0 =	simm.s32 $0x400  }
0x42: {  	[tilespmem:s28], [sflag:$0x6] =	stream.indirect.gather [hbm4b:s4+s29], $0x40, s0, s29, $0xb8;
	[tilespmem:$0x14A00] =	vst v63  }
0x43: {  	s1 =	simm.s32 $0x480  }
0x44: {  	[tilespmem:s15], [sflag:$0x6] =	stream.indirect.gather [hbm4b:s4+s29], $0x40, s1, s29, $0xb8;
	[tilespmem:$0x14A00] =	vst v63  }
0x45: {  	_ =	swait.ge [sflag:s24], $0x2000  }
0x46: {  	[sflag:s24] =	ssyncset.done $0x0  }
0x47: {  	[sflag:s24] =	ssyncadd.s32 $0xFFFFE000  }
0x48: {  	_ =	swait.ge [sflag:s24], $0x2000  }
0x49: {  	[sflag:s24] =	ssyncset.done $0x0  }
0x4a: {  	[sflag:s24] =	ssyncadd.s32 $0xFFFFE000  }
0x4b: {  	_ =	swait.ge [sflag:s24], $0x2000  }
0x4c: {  	[sflag:s24] =	ssyncset.done $0x0  }
0x4d: {  	[sflag:s24] =	ssyncadd.s32 $0xFFFFE000  }
0x4e: {  	_ =	swait.ge [sflag:s24], $0x2000  }
0x4f: {  	[sflag:s24] =	ssyncset.done $0x0  }
0x50: {  	[sflag:s24] =	ssyncadd.s32 $0xFFFFE000  }
0x51: {  	_ =	swait.ge [sflag:s24], $0x2000  }
0x52: {  	[sflag:s24] =	ssyncset.done $0x0  }
0x53: {  	s3 =	rddreg [dreg:$0xa];
	[sflag:s24] =	ssyncadd.s32 $0xFFFFE000  }
0x54: {  	[tilespmem:s21], [sflag:$0x1] =	stream.linear.gather [hbm4b:s3+s21], $0x280, $0x38;
	[tilespmem:$0x14A00] =	vst v63  }
0x55: {  	s15 =	rddreg [dreg:$0xb]  }
0x56: {  	[hbm4b:s15+s21] =	stream.linear.scatter [tilespmem:s30], [sflag:$0x7], $0xA000, $0x38;
	[tilespmem:$0x14A00] =	vst v63  }
0x57: {  	s15 =	simm.s32 $0x3  }
0x58: {  	_ =	swait.ge [sflag:s15], $0x280  }
0x59: {  	[sflag:s15] =	ssyncset.done $0x0  }
0x5a: {  	s0 =	simm.s32 $0x7;
	[sflag:s15] =	ssyncadd.s32 $0xFFFFFD80  }
0x5b: {  	_ =	swait.ge [sflag:s0], $0xA000  }
0x5c: {  	[sflag:s0] =	ssyncset.done $0x0  }
0x5d: {  	[sflag:s0] =	ssyncadd.s32 $0xFFFF6000  }
0x5e: {  	[tilespmem:s30], [sflag:$0x5] =	stream.indirect.gather [hbm4b:s4+s29], $0x40, s12, s29, $0xb8;
	[tilespmem:$0x14A00] =	vst v63  }
0x5f: {  	s26 =	simm.s32 $0x580  }
0x60: {  	[tilespmem:s16], [sflag:$0x5] =	stream.indirect.gather [hbm4b:s4+s29], $0x40, s26, s29, $0xb8;
	[tilespmem:$0x14A00] =	vst v63  }
0x61: {  	s3 =	simm.s32 $0x600  }
0x62: {  	[tilespmem:s17], [sflag:$0x5] =	stream.indirect.gather [hbm4b:s4+s29], $0x40, s3, s29, $0xb8;
	[tilespmem:$0x14A00] =	vst v63  }
0x63: {  	s26 =	simm.s32 $0x680  }
0x64: {  	[tilespmem:s18], [sflag:$0x5] =	stream.indirect.gather [hbm4b:s4+s29], $0x40, s26, s29, $0xb8;
	[tilespmem:$0x14A00] =	vst v63  }
0x65: {  	s3 =	simm.s32 $0x700  }
0x66: {  	[tilespmem:s2], [sflag:$0x5] =	stream.indirect.gather [hbm4b:s4+s29], $0x40, s3, s29, $0xb8;
	[tilespmem:$0x14A00] =	vst v63  }
0x67: {  	_ =	swait.ge [sflag:s19], $0x2000  }
0x68: {  	[sflag:s19] =	ssyncset.done $0x0  }
0x69: {  	[sflag:s19] =	ssyncadd.s32 $0xFFFFE000  }
0x6a: {  	_ =	swait.ge [sflag:s19], $0x2000  }
0x6b: {  	[sflag:s19] =	ssyncset.done $0x0  }
0x6c: {  	[sflag:s19] =	ssyncadd.s32 $0xFFFFE000  }
0x6d: {  	_ =	swait.ge [sflag:s19], $0x2000  }
0x6e: {  	[sflag:s19] =	ssyncset.done $0x0  }
0x6f: {  	[sflag:s19] =	ssyncadd.s32 $0xFFFFE000  }
0x70: {  	_ =	swait.ge [sflag:s19], $0x2000  }
0x71: {  	[sflag:s19] =	ssyncset.done $0x0  }
0x72: {  	[sflag:s19] =	ssyncadd.s32 $0xFFFFE000  }
0x73: {  	_ =	swait.ge [sflag:s19], $0x2000  }
0x74: {  	[sflag:s19] =	ssyncset.done $0x0  }
0x75: {  	s26 =	rddreg [dreg:$0xc];
	[sflag:s19] =	ssyncadd.s32 $0xFFFFE000  }
0x76: {  	[tilespmem:s9], [sflag:$0x2] =	stream.linear.gather [hbm4b:s26+s21], $0x280, $0x38;
	[tilespmem:$0x14A00] =	vst v63  }
0x77: {  	s3 =	rddreg [dreg:$0xd];
	s26 =	simm.s32 $0x4  }
0x78: {  	[hbm4b:s3+s21] =	stream.linear.scatter [tilespmem:s5], [sflag:$0x8], $0xA000, $0x38;
	[tilespmem:$0x14A00] =	vst v63  }
0x79: {  	_ =	swait.ge [sflag:s26], $0x280  }
0x7a: {  	[sflag:s26] =	ssyncset.done $0x0  }
0x7b: {  	s3 =	simm.s32 $0x8;
	[sflag:s26] =	ssyncadd.s32 $0xFFFFFD80  }
0x7c: {  	_ =	swait.ge [sflag:s3], $0xA000  }
0x7d: {  	[sflag:s3] =	ssyncset.done $0x0  }
0x7e: {  	[sflag:s3] =	ssyncadd.s32 $0xFFFF6000  }
0x7f: {  	[tilespmem:s5], [sflag:$0x6] =	stream.indirect.gather [hbm4b:s4+s29], $0x40, s14, s29, $0xb8;
	[tilespmem:$0x14A00] =	vst v63  }
0x80: {  	s5 =	simm.s32 $0x800  }
0x81: {  	[tilespmem:s23], [sflag:$0x6] =	stream.indirect.gather [hbm4b:s4+s29], $0x40, s5, s29, $0xb8;
	[tilespmem:$0x14A00] =	vst v63  }
0x82: {  	s5 =	simm.s32 $0x880  }
0x83: {  	[tilespmem:s6], [sflag:$0x6] =	stream.indirect.gather [hbm4b:s4+s29], $0x40, s5, s29, $0xb8;
	[tilespmem:$0x14A00] =	vst v63  }
0x84: {  	s5 =	simm.s32 $0x900  }
0x85: {  	[tilespmem:s28], [sflag:$0x6] =	stream.indirect.gather [hbm4b:s4+s29], $0x40, s5, s29, $0xb8;
	[tilespmem:$0x14A00] =	vst v63  }
0x86: {  	s1 =	simm.s32 $0x980;
	s5 =	simm.s32 $0x12A00  }
0x87: {  	[tilespmem:s5], [sflag:$0x6] =	stream.indirect.gather [hbm4b:s4+s29], $0x40, s1, s29, $0xb8;
	[tilespmem:$0x14A00] =	vst v63  }
0x88: {  	_ =	swait.ge [sflag:s24], $0x2000  }
0x89: {  	[sflag:s24] =	ssyncset.done $0x0  }
0x8a: {  	[sflag:s24] =	ssyncadd.s32 $0xFFFFE000  }
0x8b: {  	_ =	swait.ge [sflag:s24], $0x2000  }
0x8c: {  	[sflag:s24] =	ssyncset.done $0x0  }
0x8d: {  	[sflag:s24] =	ssyncadd.s32 $0xFFFFE000  }
0x8e: {  	_ =	swait.ge [sflag:s24], $0x2000  }
0x8f: {  	[sflag:s24] =	ssyncset.done $0x0  }
0x90: {  	[sflag:s24] =	ssyncadd.s32 $0xFFFFE000  }
0x91: {  	_ =	swait.ge [sflag:s24], $0x2000  }
0x92: {  	[sflag:s24] =	ssyncset.done $0x0  }
0x93: {  	[sflag:s24] =	ssyncadd.s32 $0xFFFFE000  }
0x94: {  	_ =	swait.ge [sflag:s24], $0x2000  }
0x95: {  	[sflag:s24] =	ssyncset.done $0x0  }
0x96: {  	s5 =	rddreg [dreg:$0xe];
	[sflag:s24] =	ssyncadd.s32 $0xFFFFE000  }
0x97: {  	[tilespmem:s12], [sflag:$0x3] =	stream.linear.gather [hbm4b:s5+s21], $0x280, $0x38;
	[tilespmem:$0x14A00] =	vst v63  }
0x98: {  	s5 =	rddreg [dreg:$0xf]  }
0x99: {  	[hbm4b:s5+s21] =	stream.linear.scatter [tilespmem:s30], [sflag:$0x7], $0xA000, $0x38;
	[tilespmem:$0x14A00] =	vst v63  }
0x9a: {  	_ =	swait.ge [sflag:s8], $0x280  }
0x9b: {  	[sflag:s8] =	ssyncset.done $0x0  }
0x9c: {  	[sflag:s8] =	ssyncadd.s32 $0xFFFFFD80  }
0x9d: {  	_ =	swait.ge [sflag:s0], $0xA000  }
0x9e: {  	[sflag:s0] =	ssyncset.done $0x0  }
0x9f: {  	[sflag:s0] =	ssyncadd.s32 $0xFFFF6000  }
0xa0: {  	[tilespmem:s30], [sflag:$0x5] =	stream.indirect.gather [hbm4b:s4+s29], $0x40, s21, s29, $0xb8;
	[tilespmem:$0x14A00] =	vst v63  }
0xa1: {  	_ = 	snop  }
0xa2: {  	[tilespmem:s16], [sflag:$0x5] =	stream.indirect.gather [hbm4b:s4+s29], $0x40, s29, s29, $0xb8;
	[tilespmem:$0x14A00] =	vst v63  }
0xa3: {  	_ = 	snop  }
0xa4: {  	[tilespmem:s17], [sflag:$0x5] =	stream.indirect.gather [hbm4b:s4+s29], $0x40, s13, s29, $0xb8;
	[tilespmem:$0x14A00] =	vst v63  }
0xa5: {  	_ = 	snop  }
0xa6: {  	[tilespmem:s18], [sflag:$0x5] =	stream.indirect.gather [hbm4b:s4+s29], $0x40, s10, s29, $0xb8;
	[tilespmem:$0x14A00] =	vst v63  }
0xa7: {  	_ = 	snop  }
0xa8: {  	[tilespmem:s2], [sflag:$0x5] =	stream.indirect.gather [hbm4b:s4+s29], $0x40, s11, s29, $0xb8;
	[tilespmem:$0x14A00] =	vst v63  }
0xa9: {  	_ =	swait.ge [sflag:s19], $0x2000  }
0xaa: {  	[sflag:s19] =	ssyncset.done $0x0  }
0xab: {  	[sflag:s19] =	ssyncadd.s32 $0xFFFFE000  }
0xac: {  	_ =	swait.ge [sflag:s19], $0x2000  }
0xad: {  	[sflag:s19] =	ssyncset.done $0x0  }
0xae: {  	[sflag:s19] =	ssyncadd.s32 $0xFFFFE000  }
0xaf: {  	_ =	swait.ge [sflag:s19], $0x2000  }
0xb0: {  	[sflag:s19] =	ssyncset.done $0x0  }
0xb1: {  	[sflag:s19] =	ssyncadd.s32 $0xFFFFE000  }
0xb2: {  	_ =	swait.ge [sflag:s19], $0x2000  }
0xb3: {  	[sflag:s19] =	ssyncset.done $0x0  }
0xb4: {  	[sflag:s19] =	ssyncadd.s32 $0xFFFFE000  }
0xb5: {  	_ =	swait.ge [sflag:s19], $0x2000  }
0xb6: {  	[sflag:s19] =	ssyncset.done $0x0  }
0xb7: {  	s11 =	rddreg [dreg:$0x16];
	[sflag:s19] =	ssyncadd.s32 $0xFFFFE000  }
0xb8: {  	[tilespmem:s14], [sflag:$0x4] =	stream.linear.gather [hbm4b:s11+s21], $0x280, $0x38;
	[tilespmem:$0x14A00] =	vst v63  }
0xb9: {  	s13 =	simm.s32 $0xAA00;
	s10 =	rddreg [dreg:$0x13]  }
0xba: {  	[hbm4b:s10+s21] =	stream.linear.scatter [tilespmem:s13], [sflag:$0x8], $0xA000, $0x38;
	[tilespmem:$0x14A00] =	vst v63  }
0xbb: {  	_ =	swait.ge [sflag:s7], $0x280  }
0xbc: {  	[sflag:s7] =	ssyncset.done $0x0  }
0xbd: {  	[sflag:s7] =	ssyncadd.s32 $0xFFFFFD80  }
0xbe: {  	_ =	swait.ge [sflag:s3], $0xA000  }
0xbf: {  	[sflag:s3] =	ssyncset.done $0x0  }
0xc0: {  	[sflag:s3] =	ssyncadd.s32 $0xFFFF6000  }
0xc1: {  	[tilespmem:s13], [sflag:$0x6] =	stream.indirect.gather [hbm4b:s4+s29], $0x40, s9, s29, $0xb8;
	[tilespmem:$0x14A00] =	vst v63  }
0xc2: {  	_ = 	snop  }
0xc3: {  	[tilespmem:s23], [sflag:$0x6] =	stream.indirect.gather [hbm4b:s4+s29], $0x40, s25, s29, $0xb8;
	[tilespmem:$0x14A00] =	vst v63  }
0xc4: {  	_ = 	snop  }
0xc5: {  	[tilespmem:s6], [sflag:$0x6] =	stream.indirect.gather [hbm4b:s4+s29], $0x40, s22, s29, $0xb8;
	[tilespmem:$0x14A00] =	vst v63  }
0xc6: {  	s22 =	simm.s32 $0x400  }
0xc7: {  	[tilespmem:s28], [sflag:$0x6] =	stream.indirect.gather [hbm4b:s4+s29], $0x40, s22, s29, $0xb8;
	[tilespmem:$0x14A00] =	vst v63  }
0xc8: {  	s1 =	simm.s32 $0x12A00;
	s25 =	simm.s32 $0x480  }
0xc9: {  	[tilespmem:s1], [sflag:$0x6] =	stream.indirect.gather [hbm4b:s4+s29], $0x40, s25, s29, $0xb8;
	[tilespmem:$0x14A00] =	vst v63  }
0xca: {  	_ =	swait.ge [sflag:s24], $0x2000  }
0xcb: {  	[sflag:s24] =	ssyncset.done $0x0  }
0xcc: {  	[sflag:s24] =	ssyncadd.s32 $0xFFFFE000  }
0xcd: {  	_ =	swait.ge [sflag:s24], $0x2000  }
0xce: {  	[sflag:s24] =	ssyncset.done $0x0  }
0xcf: {  	[sflag:s24] =	ssyncadd.s32 $0xFFFFE000  }
0xd0: {  	_ =	swait.ge [sflag:s24], $0x2000  }
0xd1: {  	[sflag:s24] =	ssyncset.done $0x0  }
0xd2: {  	[sflag:s24] =	ssyncadd.s32 $0xFFFFE000  }
0xd3: {  	_ =	swait.ge [sflag:s24], $0x2000  }
0xd4: {  	[sflag:s24] =	ssyncset.done $0x0  }
0xd5: {  	s7 =	smin.u32 s26, $0x23;
	[sflag:s24] =	ssyncadd.s32 $0xFFFFE000  }
0xd6: {  	s8 =	smul.u32 $0x280, s7;
	_ =	swait.ge [sflag:s24], $0x2000  }
0xd7: {  	s13 =	rddreg [dreg:$0x4]  }
0xd8: {  	s8 =	sadd.s32 s8, s13  }
0xd9: {  	[sflag:s24] =	ssyncset.done $0x0;
	s8 =	sshrl.u32 s8, $0x3  }
0xda: {  	[sflag:s24] =	ssyncadd.s32 $0xFFFFE000;
	s8 =	sadd.s32 s20, s8  }
0xdb: {  	[tilespmem:s21], [sflag:$0x1] =	stream.linear.gather [hbm4b:s8+s21], $0x280, $0x38;
	[tilespmem:$0x14A00] =	vst v63  }
0xdc: {  	s13 =	rddreg [dreg:$0x12]  }
0xdd: {  	[hbm4b:s13+s21] =	stream.linear.scatter [tilespmem:s30], [sflag:$0x7], $0xA000, $0x38;
	[tilespmem:$0x14A00] =	vst v63  }
0xde: {  	_ =	swait.ge [sflag:s15], $0x280  }
0xdf: {  	[sflag:s15] =	ssyncset.done $0x0  }
0xe0: {  	[sflag:s15] =	ssyncadd.s32 $0xFFFFFD80  }
0xe1: {  	_ =	swait.ge [sflag:s0], $0xA000  }
0xe2: {  	[sflag:s0] =	ssyncset.done $0x0  }
0xe3: {  	[sflag:s0] =	ssyncadd.s32 $0xFFFF6000  }
0xe4: {  	[tilespmem:s30], [sflag:$0x5] =	stream.indirect.gather [hbm4b:s4+s29], $0x40, s12, s29, $0xb8;
	[tilespmem:$0x14A00] =	vst v63  }
0xe5: {  	s15 =	simm.s32 $0x580  }
0xe6: {  	[tilespmem:s16], [sflag:$0x5] =	stream.indirect.gather [hbm4b:s4+s29], $0x40, s15, s29, $0xb8;
	[tilespmem:$0x14A00] =	vst v63  }
0xe7: {  	s22 =	simm.s32 $0x600  }
0xe8: {  	[tilespmem:s17], [sflag:$0x5] =	stream.indirect.gather [hbm4b:s4+s29], $0x40, s22, s29, $0xb8;
	[tilespmem:$0x14A00] =	vst v63  }
0xe9: {  	s25 =	simm.s32 $0x680  }
0xea: {  	[tilespmem:s18], [sflag:$0x5] =	stream.indirect.gather [hbm4b:s4+s29], $0x40, s25, s29, $0xb8;
	[tilespmem:$0x14A00] =	vst v63  }
0xeb: {  	s30 =	simm.s32 $0x700  }
0xec: {  	[tilespmem:s2], [sflag:$0x5] =	stream.indirect.gather [hbm4b:s4+s29], $0x40, s30, s29, $0xb8;
	[tilespmem:$0x14A00] =	vst v63  }
0xed: {  	_ =	swait.ge [sflag:s19], $0x2000  }
0xee: {  	[sflag:s19] =	ssyncset.done $0x0  }
0xef: {  	[sflag:s19] =	ssyncadd.s32 $0xFFFFE000  }
0xf0: {  	_ =	swait.ge [sflag:s19], $0x2000  }
0xf1: {  	[sflag:s19] =	ssyncset.done $0x0  }
0xf2: {  	[sflag:s19] =	ssyncadd.s32 $0xFFFFE000  }
0xf3: {  	_ =	swait.ge [sflag:s19], $0x2000  }
0xf4: {  	[sflag:s19] =	ssyncset.done $0x0  }
0xf5: {  	[sflag:s19] =	ssyncadd.s32 $0xFFFFE000  }
0xf6: {  	_ =	swait.ge [sflag:s19], $0x2000  }
0xf7: {  	[sflag:s19] =	ssyncset.done $0x0  }
0xf8: {  	s7 =	smin.u32 s26, $0x22;
	[sflag:s19] =	ssyncadd.s32 $0xFFFFE000  }
0xf9: {  	s8 =	smul.u32 $0x280, s7;
	_ =	swait.ge [sflag:s19], $0x2000  }
0xfa: {  	s15 =	rddreg [dreg:$0x5]  }
0xfb: {  	s8 =	sadd.s32 s8, s15  }
0xfc: {  	[sflag:s19] =	ssyncset.done $0x0;
	s8 =	sshrl.u32 s8, $0x3  }
0xfd: {  	[sflag:s19] =	ssyncadd.s32 $0xFFFFE000;
	s8 =	sadd.s32 s20, s8  }
0xfe: {  	[tilespmem:s9], [sflag:$0x2] =	stream.linear.gather [hbm4b:s8+s21], $0x280, $0x38;
	[tilespmem:$0x14A00] =	vst v63  }
0xff: {  	s5 =	simm.s32 $0xAA00;
	s16 =	rddreg [dreg:$0x14]  }
0x100: {  	[hbm4b:s16+s21] =	stream.linear.scatter [tilespmem:s5], [sflag:$0x8], $0xA000, $0x38;
	[tilespmem:$0x14A00] =	vst v63  }
0x101: {  	_ =	swait.ge [sflag:s26], $0x280  }
0x102: {  	[sflag:s26] =	ssyncset.done $0x0  }
0x103: {  	[sflag:s26] =	ssyncadd.s32 $0xFFFFFD80  }
0x104: {  	_ =	swait.ge [sflag:s3], $0xA000  }
0x105: {  	[sflag:s3] =	ssyncset.done $0x0  }
0x106: {  	[sflag:s3] =	ssyncadd.s32 $0xFFFF6000  }
0x107: {  	[tilespmem:s5], [sflag:$0x6] =	stream.indirect.gather [hbm4b:s4+s29], $0x40, s14, s29, $0xb8;
	[tilespmem:$0x14A00] =	vst v63  }
0x108: {  	s18 =	simm.s32 $0x800  }
0x109: {  	[tilespmem:s23], [sflag:$0x6] =	stream.indirect.gather [hbm4b:s4+s29], $0x40, s18, s29, $0xb8;
	[tilespmem:$0x14A00] =	vst v63  }
0x10a: {  	s22 =	simm.s32 $0x880  }
0x10b: {  	[tilespmem:s6], [sflag:$0x6] =	stream.indirect.gather [hbm4b:s4+s29], $0x40, s22, s29, $0xb8;
	[tilespmem:$0x14A00] =	vst v63  }
0x10c: {  	s23 =	simm.s32 $0x900  }
0x10d: {  	[tilespmem:s28], [sflag:$0x6] =	stream.indirect.gather [hbm4b:s4+s29], $0x40, s23, s29, $0xb8;
	[tilespmem:$0x14A00] =	vst v63  }
0x10e: {  	s28 =	simm.s32 $0x980  }
0x10f: {  	[tilespmem:s1], [sflag:$0x6] =	stream.indirect.gather [hbm4b:s4+s29], $0x40, s28, s29, $0xb8;
	[tilespmem:$0x14A00] =	vst v63  }
0x110: {  	_ =	swait.ge [sflag:s24], $0x2000  }
0x111: {  	[sflag:s24] =	ssyncset.done $0x0  }
0x112: {  	[sflag:s24] =	ssyncadd.s32 $0xFFFFE000  }
0x113: {  	_ =	swait.ge [sflag:s24], $0x2000  }
0x114: {  	[sflag:s24] =	ssyncset.done $0x0  }
0x115: {  	[sflag:s24] =	ssyncadd.s32 $0xFFFFE000  }
0x116: {  	_ =	swait.ge [sflag:s24], $0x2000  }
0x117: {  	[sflag:s24] =	ssyncset.done $0x0  }
0x118: {  	[sflag:s24] =	ssyncadd.s32 $0xFFFFE000  }
0x119: {  	s30 =	smin.u32 s26, $0x21;
	_ =	swait.ge [sflag:s24], $0x2000  }
0x11a: {  	s8 =	smul.u32 $0x280, s30;
	[sflag:s24] =	ssyncset.done $0x0  }
0x11b: {  	s15 =	sadd.s32 $0x140, s11;
	[sflag:s24] =	ssyncadd.s32 $0xFFFFE000  }
0x11c: {  	s11 =	sadd.s32 $0x5000, s10;
	s8 =	sadd.s32 s8, s31;
	_ =	swait.ge [sflag:s24], $0x2000  }
0x11d: {  	s9 =	simm.s32 $0x8;
	s8 =	sshrl.u32 s8, $0x3;
	[sflag:s24] =	ssyncset.done $0x0  }
0x11e: {  	s8 =	sadd.s32 s20, s8;
	s18 =	rddreg [dreg:$0x15];
	[sflag:s24] =	ssyncadd.s32 $0xFFFFE000  }
0x11f: {  	[tilespmem:s12], [sflag:$0x3] =	stream.linear.gather [hbm4b:s8+s21], $0x280, $0x38;
	[tilespmem:$0x14A00] =	vst v63  }
0x120: {  	s17 =	sadd.s32 $0x5000, s18;
	s8 =	sadd.s32 $0x5000, s13;
	s13 =	sadd.s32 $0x5000, s16  }
.LBB2_2:
0x121: {  	s1 =	simm.s32 $0xA00;
	s25 =	simm.s32 $0x0;
	s10 =	simm.s32 $0x1  }
0x122: {  	[hbm4b:s18+s25] =	stream.linear.scatter [tilespmem:s1], [sflag:$0x7], $0xA000, $0x38;
	[tilespmem:$0x14A00] =	vst v63  }
0x123: {  	_ =	swait.ge [sflag:s10], $0x280  }
0x124: {  	[sflag:s10] =	ssyncset.done $0x0  }
0x125: {  	s5 =	simm.s32 $0x7;
	[sflag:s10] =	ssyncadd.s32 $0xFFFFFD80  }
0x126: {  	_ =	swait.ge [sflag:s5], $0xA000  }
0x127: {  	[sflag:s5] =	ssyncset.done $0x0  }
0x128: {  	[sflag:s5] =	ssyncadd.s32 $0xFFFF6000  }
0x129: {  	[tilespmem:s1], [sflag:$0x5] =	stream.indirect.gather [hbm4b:s4+s29], $0x40, s25, s29, $0xb8;
	[tilespmem:$0x14A00] =	vst v63  }
0x12a: {  	s28 =	simm.s32 $0x2A00  }
0x12b: {  	[tilespmem:s28], [sflag:$0x5] =	stream.indirect.gather [hbm4b:s4+s29], $0x40, s29, s29, $0xb8;
	[tilespmem:$0x14A00] =	vst v63  }
0x12c: {  	s7 =	simm.s32 $0x100;
	s2 =	simm.s32 $0x4A00  }
0x12d: {  	[tilespmem:s2], [sflag:$0x5] =	stream.indirect.gather [hbm4b:s4+s29], $0x40, s7, s29, $0xb8;
	[tilespmem:$0x14A00] =	vst v63  }
0x12e: {  	s16 =	simm.s32 $0x180;
	s12 =	simm.s32 $0x6A00  }
0x12f: {  	[tilespmem:s12], [sflag:$0x5] =	stream.indirect.gather [hbm4b:s4+s29], $0x40, s16, s29, $0xb8;
	[tilespmem:$0x14A00] =	vst v63  }
0x130: {  	s21 =	simm.s32 $0x200;
	s23 =	simm.s32 $0x8A00  }
0x131: {  	[tilespmem:s23], [sflag:$0x5] =	stream.indirect.gather [hbm4b:s4+s29], $0x40, s21, s29, $0xb8;
	[tilespmem:$0x14A00] =	vst v63  }
0x132: {  	_ =	swait.ge [sflag:s19], $0x2000  }
0x133: {  	[sflag:s19] =	ssyncset.done $0x0  }
0x134: {  	[sflag:s19] =	ssyncadd.s32 $0xFFFFE000  }
0x135: {  	_ =	swait.ge [sflag:s19], $0x2000  }
0x136: {  	[sflag:s19] =	ssyncset.done $0x0  }
0x137: {  	[sflag:s19] =	ssyncadd.s32 $0xFFFFE000  }
0x138: {  	_ =	swait.ge [sflag:s19], $0x2000  }
0x139: {  	[sflag:s19] =	ssyncset.done $0x0  }
0x13a: {  	[sflag:s19] =	ssyncadd.s32 $0xFFFFE000  }
0x13b: {  	_ =	swait.ge [sflag:s19], $0x2000  }
0x13c: {  	[sflag:s19] =	ssyncset.done $0x0  }
0x13d: {  	[sflag:s19] =	ssyncadd.s32 $0xFFFFE000  }
0x13e: {  	_ =	swait.ge [sflag:s19], $0x2000  }
0x13f: {  	[sflag:s19] =	ssyncset.done $0x0  }
0x140: {  	s0 =	simm.s32 $0x780;
	[sflag:s19] =	ssyncadd.s32 $0xFFFFE000  }
0x141: {  	[tilespmem:s0], [sflag:$0x4] =	stream.linear.gather [hbm4b:s15+s25], $0x280, $0x38;
	[tilespmem:$0x14A00] =	vst v63  }
0x142: {  	s22 =	simm.s32 $0x2;
	s0 =	simm.s32 $0xAA00  }
0x143: {  	[hbm4b:s11+s25] =	stream.linear.scatter [tilespmem:s0], [sflag:$0x8], $0xA000, $0x38;
	[tilespmem:$0x14A00] =	vst v63  }
0x144: {  	_ =	swait.ge [sflag:s22], $0x280  }
0x145: {  	[sflag:s22] =	ssyncset.done $0x0  }
0x146: {  	s3 =	simm.s32 $0x8;
	[sflag:s22] =	ssyncadd.s32 $0xFFFFFD80  }
0x147: {  	_ =	swait.ge [sflag:s3], $0xA000  }
0x148: {  	[sflag:s3] =	ssyncset.done $0x0  }
0x149: {  	s14 =	simm.s32 $0x280;
	[sflag:s3] =	ssyncadd.s32 $0xFFFF6000  }
0x14a: {  	[tilespmem:s0], [sflag:$0x6] =	stream.indirect.gather [hbm4b:s4+s29], $0x40, s14, s29, $0xb8;
	[tilespmem:$0x14A00] =	vst v63  }
0x14b: {  	s30 =	simm.s32 $0x300;
	s6 =	simm.s32 $0xCA00  }
0x14c: {  	[tilespmem:s6], [sflag:$0x6] =	stream.indirect.gather [hbm4b:s4+s29], $0x40, s30, s29, $0xb8;
	[tilespmem:$0x14A00] =	vst v63  }
0x14d: {  	s10 =	simm.s32 $0x380;
	s30 =	simm.s32 $0xEA00  }
0x14e: {  	[tilespmem:s30], [sflag:$0x6] =	stream.indirect.gather [hbm4b:s4+s29], $0x40, s10, s29, $0xb8;
	[tilespmem:$0x14A00] =	vst v63  }
0x14f: {  	s16 =	simm.s32 $0x400;
	s21 =	simm.s32 $0x10A00  }
0x150: {  	[tilespmem:s21], [sflag:$0x6] =	stream.indirect.gather [hbm4b:s4+s29], $0x40, s16, s29, $0xb8;
	[tilespmem:$0x14A00] =	vst v63  }
0x151: {  	s7 =	simm.s32 $0x12A00;
	s22 =	simm.s32 $0x480  }
0x152: {  	[tilespmem:s7], [sflag:$0x6] =	stream.indirect.gather [hbm4b:s4+s29], $0x40, s22, s29, $0xb8;
	[tilespmem:$0x14A00] =	vst v63  }
0x153: {  	_ =	swait.ge [sflag:s24], $0x2000  }
0x154: {  	[sflag:s24] =	ssyncset.done $0x0  }
0x155: {  	[sflag:s24] =	ssyncadd.s32 $0xFFFFE000  }
0x156: {  	_ =	swait.ge [sflag:s24], $0x2000  }
0x157: {  	[sflag:s24] =	ssyncset.done $0x0  }
0x158: {  	[sflag:s24] =	ssyncadd.s32 $0xFFFFE000  }
0x159: {  	_ =	swait.ge [sflag:s24], $0x2000  }
0x15a: {  	[sflag:s24] =	ssyncset.done $0x0  }
0x15b: {  	[sflag:s24] =	ssyncadd.s32 $0xFFFFE000  }
0x15c: {  	_ =	swait.ge [sflag:s24], $0x2000  }
0x15d: {  	s26 =	smov.u32 s9;
	[sflag:s24] =	ssyncset.done $0x0  }
0x15e: {  	s10 =	smov.u32 s31;
	s31 =	smin.u32 s26, $0x23;
	[sflag:s24] =	ssyncadd.s32 $0xFFFFE000  }
0x15f: {  	s31 =	smul.u32 $0x280, s31;
	_ =	swait.ge [sflag:s24], $0x2000  }
0x160: {  	s16 =	rddreg [dreg:$0x4]  }
0x161: {  	s31 =	sadd.s32 s31, s16  }
0x162: {  	[sflag:s24] =	ssyncset.done $0x0;
	s31 =	sshrl.u32 s31, $0x3  }
0x163: {  	[sflag:s24] =	ssyncadd.s32 $0xFFFFE000;
	s31 =	sadd.s32 s20, s31  }
0x164: {  	[tilespmem:s25], [sflag:$0x1] =	stream.linear.gather [hbm4b:s31+s25], $0x280, $0x38;
	[tilespmem:$0x14A00] =	vst v63  }
0x165: {  	s31 =	simm.s32 $0x3  }
0x166: {  	[hbm4b:s8+s25] =	stream.linear.scatter [tilespmem:s1], [sflag:$0x7], $0xA000, $0x38;
	[tilespmem:$0x14A00] =	vst v63  }
0x167: {  	_ =	swait.ge [sflag:s31], $0x280  }
0x168: {  	[sflag:s31] =	ssyncset.done $0x0  }
0x169: {  	[sflag:s31] =	ssyncadd.s32 $0xFFFFFD80  }
0x16a: {  	_ =	swait.ge [sflag:s5], $0xA000  }
0x16b: {  	[sflag:s5] =	ssyncset.done $0x0  }
0x16c: {  	s22 =	simm.s32 $0x500;
	[sflag:s5] =	ssyncadd.s32 $0xFFFF6000  }
0x16d: {  	[tilespmem:s1], [sflag:$0x5] =	stream.indirect.gather [hbm4b:s4+s29], $0x40, s22, s29, $0xb8;
	[tilespmem:$0x14A00] =	vst v63  }
0x16e: {  	s31 =	simm.s32 $0x580  }
0x16f: {  	[tilespmem:s28], [sflag:$0x5] =	stream.indirect.gather [hbm4b:s4+s29], $0x40, s31, s29, $0xb8;
	[tilespmem:$0x14A00] =	vst v63  }
0x170: {  	s31 =	simm.s32 $0x600  }
0x171: {  	[tilespmem:s2], [sflag:$0x5] =	stream.indirect.gather [hbm4b:s4+s29], $0x40, s31, s29, $0xb8;
	[tilespmem:$0x14A00] =	vst v63  }
0x172: {  	s31 =	simm.s32 $0x680  }
0x173: {  	[tilespmem:s12], [sflag:$0x5] =	stream.indirect.gather [hbm4b:s4+s29], $0x40, s31, s29, $0xb8;
	[tilespmem:$0x14A00] =	vst v63  }
0x174: {  	s31 =	simm.s32 $0x700  }
0x175: {  	[tilespmem:s23], [sflag:$0x5] =	stream.indirect.gather [hbm4b:s4+s29], $0x40, s31, s29, $0xb8;
	[tilespmem:$0x14A00] =	vst v63  }
0x176: {  	_ =	swait.ge [sflag:s19], $0x2000  }
0x177: {  	[sflag:s19] =	ssyncset.done $0x0  }
0x178: {  	[sflag:s19] =	ssyncadd.s32 $0xFFFFE000  }
0x179: {  	_ =	swait.ge [sflag:s19], $0x2000  }
0x17a: {  	[sflag:s19] =	ssyncset.done $0x0  }
0x17b: {  	[sflag:s19] =	ssyncadd.s32 $0xFFFFE000  }
0x17c: {  	_ =	swait.ge [sflag:s19], $0x2000  }
0x17d: {  	[sflag:s19] =	ssyncset.done $0x0  }
0x17e: {  	[sflag:s19] =	ssyncadd.s32 $0xFFFFE000  }
0x17f: {  	_ =	swait.ge [sflag:s19], $0x2000  }
0x180: {  	[sflag:s19] =	ssyncset.done $0x0  }
0x181: {  	s31 =	smin.u32 s26, $0x22;
	[sflag:s19] =	ssyncadd.s32 $0xFFFFE000  }
0x182: {  	s31 =	smul.u32 $0x280, s31;
	_ =	swait.ge [sflag:s19], $0x2000  }
0x183: {  	s2 =	rddreg [dreg:$0x5]  }
0x184: {  	s31 =	sadd.s32 s31, s2  }
0x185: {  	[sflag:s19] =	ssyncset.done $0x0;
	s31 =	sshrl.u32 s31, $0x3  }
0x186: {  	[sflag:s19] =	ssyncadd.s32 $0xFFFFE000;
	s31 =	sadd.s32 s20, s31  }
0x187: {  	[tilespmem:s14], [sflag:$0x2] =	stream.linear.gather [hbm4b:s31+s25], $0x280, $0x38;
	[tilespmem:$0x14A00] =	vst v63  }
0x188: {  	s12 =	simm.s32 $0x4  }
0x189: {  	[hbm4b:s13+s25] =	stream.linear.scatter [tilespmem:s0], [sflag:$0x8], $0xA000, $0x38;
	[tilespmem:$0x14A00] =	vst v63  }
0x18a: {  	_ =	swait.ge [sflag:s12], $0x280  }
0x18b: {  	[sflag:s12] =	ssyncset.done $0x0  }
0x18c: {  	[sflag:s12] =	ssyncadd.s32 $0xFFFFFD80  }
0x18d: {  	_ =	swait.ge [sflag:s3], $0xA000  }
0x18e: {  	[sflag:s3] =	ssyncset.done $0x0  }
0x18f: {  	s14 =	simm.s32 $0x780;
	[sflag:s3] =	ssyncadd.s32 $0xFFFF6000  }
0x190: {  	[tilespmem:s0], [sflag:$0x6] =	stream.indirect.gather [hbm4b:s4+s29], $0x40, s14, s29, $0xb8;
	[tilespmem:$0x14A00] =	vst v63  }
0x191: {  	s16 =	simm.s32 $0x800  }
0x192: {  	[tilespmem:s6], [sflag:$0x6] =	stream.indirect.gather [hbm4b:s4+s29], $0x40, s16, s29, $0xb8;
	[tilespmem:$0x14A00] =	vst v63  }
0x193: {  	s23 =	simm.s32 $0x880  }
0x194: {  	[tilespmem:s30], [sflag:$0x6] =	stream.indirect.gather [hbm4b:s4+s29], $0x40, s23, s29, $0xb8;
	[tilespmem:$0x14A00] =	vst v63  }
0x195: {  	s28 =	simm.s32 $0x900  }
0x196: {  	[tilespmem:s21], [sflag:$0x6] =	stream.indirect.gather [hbm4b:s4+s29], $0x40, s28, s29, $0xb8;
	[tilespmem:$0x14A00] =	vst v63  }
0x197: {  	s30 =	simm.s32 $0x980  }
0x198: {  	[tilespmem:s7], [sflag:$0x6] =	stream.indirect.gather [hbm4b:s4+s29], $0x40, s30, s29, $0xb8;
	[tilespmem:$0x14A00] =	vst v63  }
0x199: {  	_ =	swait.ge [sflag:s24], $0x2000  }
0x19a: {  	[sflag:s24] =	ssyncset.done $0x0  }
0x19b: {  	[sflag:s24] =	ssyncadd.s32 $0xFFFFE000  }
0x19c: {  	_ =	swait.ge [sflag:s24], $0x2000  }
0x19d: {  	[sflag:s24] =	ssyncset.done $0x0  }
0x19e: {  	[sflag:s24] =	ssyncadd.s32 $0xFFFFE000  }
0x19f: {  	p0 =	sne.s32 s9, $0x24;
	_ =	swait.ge [sflag:s24], $0x2000  }
0x1a0: {  	s9 =	sadd.s32 $0x4, s9;
	s18 =	smov.u32 s17;
	[sflag:s24] =	ssyncset.done $0x0  }
0x1a1: {  	s17 =	sadd.s32 $0x5000, s17;
	s15 =	sadd.s32 $0x140, s15;
	[sflag:s24] =	ssyncadd.s32 $0xFFFFE000  }
0x1a2: {  	s11 =	sadd.s32 $0x5000, s11;
	s26 =	smin.u32 s26, $0x21;
	_ =	swait.ge [sflag:s24], $0x2000  }
0x1a3: {  	s8 =	sadd.s32 $0x5000, s8;
	s26 =	smul.u32 $0x280, s26;
	[sflag:s24] =	ssyncset.done $0x0  }
.Ltmp0:
0x1a4: {  	s31 =	smov.u32 s10;
	[sflag:s24] =	ssyncadd.s32 $0xFFFFE000;
	(pc) =	sbr.rel @p0 .LBB2_2-.Ltmp0, $4  }
0x1a5: {  	s5 =	simm.s32 $0xA00;
	s26 =	sadd.s32 s26, s31;
	_ =	swait.ge [sflag:s24], $0x2000  }
0x1a6: {  	s1 =	simm.s32 $0xAA00;
	s26 =	sshrl.u32 s26, $0x3;
	[sflag:s24] =	ssyncset.done $0x0  }
0x1a7: {  	s13 =	sadd.s32 $0x5000, s13;
	s26 =	sadd.s32 s20, s26;
	[sflag:s24] =	ssyncadd.s32 $0xFFFFE000  }
0x1a8: {  	[tilespmem:s22], [sflag:$0x3] =	stream.linear.gather [hbm4b:s26+s25], $0x280, $0x38;
	[tilespmem:$0x14A00] =	vst v63  }
0x1a9: {  	s0 =	simm.s32 $0x0  }
0x1aa: {  	[hbm4b:s18+s0] =	stream.linear.scatter [tilespmem:s5], [sflag:$0x7], $0xA000, $0x38;
	[tilespmem:$0x14A00] =	vst v63  }
0x1ab: {  	_ =	swait.ge [sflag:s19], $0x2000  }
0x1ac: {  	[sflag:s19] =	ssyncset.done $0x0  }
0x1ad: {  	[sflag:s19] =	ssyncadd.s32 $0xFFFFE000  }
0x1ae: {  	_ =	swait.ge [sflag:s19], $0x2000  }
0x1af: {  	[sflag:s19] =	ssyncset.done $0x0  }
0x1b0: {  	[sflag:s19] =	ssyncadd.s32 $0xFFFFE000  }
0x1b1: {  	_ =	swait.ge [sflag:s19], $0x2000  }
0x1b2: {  	[sflag:s19] =	ssyncset.done $0x0  }
0x1b3: {  	[sflag:s19] =	ssyncadd.s32 $0xFFFFE000  }
0x1b4: {  	_ =	swait.ge [sflag:s19], $0x2000  }
0x1b5: {  	[sflag:s19] =	ssyncset.done $0x0  }
0x1b6: {  	[sflag:s19] =	ssyncadd.s32 $0xFFFFE000  }
0x1b7: {  	_ =	swait.ge [sflag:s19], $0x2000  }
0x1b8: {  	[sflag:s19] =	ssyncset.done $0x0  }
0x1b9: {  	s22 =	simm.s32 $0x7;
	s8 =	rddreg [dreg:$0x10];
	[sflag:s19] =	ssyncadd.s32 $0xFFFFE000  }
0x1ba: {  	[hbm4b:s8+s0] =	stream.linear.scatter [tilespmem:s1], [sflag:$0x8], $0xA000, $0x38;
	[tilespmem:$0x14A00] =	vst v63  }
0x1bb: {  	_ =	swait.ge [sflag:s22], $0xA000  }
0x1bc: {  	[sflag:s22] =	ssyncset.done $0x0  }
0x1bd: {  	s23 =	simm.s32 $0x8;
	[sflag:s22] =	ssyncadd.s32 $0xFFFF6000  }
0x1be: {  	_ =	swait.ge [sflag:s23], $0xA000  }
0x1bf: {  	[sflag:s23] =	ssyncset.done $0x0  }
0x1c0: {  	s2 =	simm.s32 $0x1;
	[sflag:s23] =	ssyncadd.s32 $0xFFFF6000  }
0x1c1: {  	_ =	swait.ge [sflag:s2], $0x280  }
0x1c2: {  	[sflag:s2] =	ssyncset.done $0x0  }
0x1c3: {  	s25 =	simm.s32 $0x2;
	[sflag:s2] =	ssyncadd.s32 $0xFFFFFD80  }
0x1c4: {  	_ =	swait.ge [sflag:s25], $0x280  }
0x1c5: {  	[sflag:s25] =	ssyncset.done $0x0  }
0x1c6: {  	s26 =	simm.s32 $0x3;
	[sflag:s25] =	ssyncadd.s32 $0xFFFFFD80  }
0x1c7: {  	_ =	swait.ge [sflag:s26], $0x280  }
0x1c8: {  	s9 =	simm.s32 $0x280;
	s7 =	rddreg [dreg:$0x17]  }
0x1c9: {  	s12 =	simm.s32 $0x500;
	s30 =	rddreg [dreg:$0x11];
	s7 =	sadd.s32 $0x1, s7  }
0x1ca: {  	s16 =	simm.s32 $0x2A00;
	s13 =	simm.s32 $0x100;
	p0 =	sne.s32 s7, s30  }
.Ltmp1:
0x1cb: {  	s17 =	simm.s32 $0x4A00;
	s10 =	simm.s32 $0x180;
	(pc) =	sbr.rel @p0 .LBB2_1-.Ltmp1, $4  }
0x1cc: {  	s11 =	simm.s32 $0x200;
	s14 =	simm.s32 $0x780;
	s6 =	simm.s32 $0xEA00  }
0x1cd: {  	s28 =	simm.s32 $0x10A00;
	s15 =	simm.s32 $0x12A00;
	s18 =	simm.s32 $0x6A00  }
0x1ce: {  	s22 =	simm.s32 $0x380;
	s23 =	simm.s32 $0xCA00;
	[sflag:s26] =	ssyncset.done $0x0  }
0x1cf: {  	s2 =	simm.s32 $0x8A00;
	s25 =	simm.s32 $0x300;
	[sflag:s26] =	ssyncadd.s32 $0xFFFFFD80  }
0x1d0: {  	_ =	sfence.sel $0x180000  }
0x1d1: {  	[bflag:$0x0] =	sbarrier.arrive $0xFFFF  }
0x1d2: {  	_ =	strace $0x90000047  }
0x1d3: {  	s0 =	stileid.u32;
	[bflag:$0x2] =	sbarrier.arrive $0xFFFF  }
0x1d4: {  	p0 =	sne.s32 s0, $0x0;
	s0 =	rddreg [dreg:$0x3]  }
0x1d5: {  	s0 =	sadd.s32 @!p0 $0x100000, s0  }
0x1d6: {  	[sflag:s0] =	ssyncadd.tile.s32 @!p0 $0x1;
	_ =	shalt  }
.Lfunc_end2:
_tile_overlayer_lowered:
.L_overlay_start_2:
0x1d7: {  	(tag) =	ssettag $0x2  }
0x1d8: {  	s0 =	rddreg [dreg:$0x0];
	s2 =	stileid.u32  }
0x1d9: {  	s1 =	rddreg [dreg:$0x1];
	p0 =	sne.s32 s2, $0x0  }
0x1da: {  	s3 =	rddreg [dreg:$0x2];
	[bflag:$0x3] =	sbarrier.arrive $0xFFFF;
	s2 =	simm.s32 @!p0 $0x1C09  }
0x1db: {  	[timem:s3], [sflag:s2] =	dma.local @!p0 [hbm:s0], s1  }
0x1dc: {  	s0 =	simm.s32 @!p0 $0x9  }
0x1dd: {  	_ =	swait.ge @!p0 [sflag:s0], s1  }
0x1de: {  	s1 =	ssub.s32 @!p0 $0x0, s1;
	[sflag:s0] =	ssyncset.done @!p0 $0x0  }
0x1df: {  	[sflag:s0] =	ssyncadd.s32 @!p0 s1  }
0x1e0: {  	[bflag:$0x3] =	sbarrier.arrive $0xFFFF  }
0x1e1: {  	_ =	shalt  }

// kernel: sparse-core-data-format-call.cloned.1.call-start
scs
called_computation_lowered:
.L_overlay_start_0:
0x0: {  	s2 =	sld [smem:$0x3FD9]  }
0x1: {  	s3 =	sld [smem:$0x3FFE];
	_ =	sdelay $0x1  }
0x2: {  	s1 =	srdreg.scid  }
0x3: {  	s0 =	sand.u32 $0x1, s1  }
0x4: {  	s18 =	sshll.u32 s0, $0xA;
	s2 =	sadd.s32 s3, s2  }
0x5: {  	s2 =	sadd.s32 s2, s18  }
0x6: {  	[smem:$0x3FC6] =	sst s2  }
0x7: {  	_ = 	snop  }
0x8: {  	s2 =	sld [smem:$0x3FD0];
	(tm) =	ssettm $0x1  }
0x9: {  	s19 =	sld [smem:$0x3FFB];
	_ =	sdelay $0x3  }
0xa: {  	_ =	strace s19  }
0xb: {  	s3 =	sld [smem:$0x3FFC];
	_ =	sdelay $0x3  }
0xc: {  	_ =	strace s3  }
0xd: {  	s3 =	sld [smem:$0x3FFD];
	_ =	sdelay $0x3  }
0xe: {  	_ =	strace s3  }
0xf: {  	_ =	strace $0x8FFFFFFF  }
0x10: {  	s20 =	sld [smem:$0x3FDB];
	_ =	sdelay $0x1  }
0x11: {  	s4 =	simm.s32 $_scs_section_size  }
0x12: {  	s5 =	simm.s32 $_size__tile_overlayer_lowered;
	s6 =	simm.s32 $_tile_overlayer_lowered  }
0x13: {  	s23 =	simm.s32 $0x1BFF;
	s22 =	sshll.u32 s6, $0x1;
	s3 =	sadd.s32 s4, s20  }
0x14: {  	s7 =	simm.s32 $0x0;
	s21 =	sshll.u32 s5, $0x1;
	s5 =	sadd.s32 s22, s3  }
0x15: {  	[timem:s7], [sflag:s23] =	dma.local [hbm:s5], s21  }
0x16: {  	_ =	swait.ge [sflag:s23], s21  }
0x17: {  	s4 =	ssub.s32 $0x0, s21;
	[sflag:s23] =	ssyncset.done $0x0  }
0x18: {  	[sflag:s23] =	ssyncadd.s32 s4;
	_ =	sdelay $0x1  }
0x19: {  	s24 =	simm.s32 $0x1B8B  }
0x1a: {  	_ =	swait.ge [sflag:s24], $0x1  }
0x1b: {  	[sflag:s24] =	ssyncset.done $0x0  }
0x1c: {  	s26 =	simm.s32 $0x1B8E;
	s25 =	sld [smem:$0x3FFE];
	[sflag:s24] =	ssyncadd.s32 $0xFFFFFFFF  }
0x1d: {  	s27 =	simm.s32 $execute0_lowered;
	[smem:$0x3FD2] =	sst s26  }
0x1e: {  	s5 =	sshll.u32 s27, $0x1;
	_ =	strace $0x80000049;
	[dreg:$0x1] =	wrdreg $0xFFFFFFFF  }
0x1f: {  	s28 =	simm.s32 $_size_execute0_lowered;
	s3 =	sadd.s32 s3, s5;
	[dreg:$0x0] =	wrdreg $0x0  }
0x20: {  	s5 =	sshll.u32 s28, $0x1;
	[dreg:$0x2] =	wrdreg s3  }
0x21: {  	[dreg:$0x3] =	wrdreg s5  }
0x22: {  	[dreg:$0x4] =	wrdreg $0xC0  }
0x23: {  	_ =	task [dreg:s7], $0x5FFFF  }
0x24: {  	[dreg:$0x1] =	wrdreg $0xFFFFFFFF  }
0x25: {  	[dreg:$0x0] =	wrdreg $0x60  }
0x26: {  	[dreg:$0x2] =	wrdreg s25  }
0x27: {  	[dreg:$0x3] =	wrdreg s2  }
0x28: {  	[dreg:$0x4] =	wrdreg $0x9  }
0x29: {  	_ =	task.clear_ibuf [dreg:s7], $0x5FFFF;
	_ =	strace $0x90000049  }
0x2a: {  	s29 =	simm.s32 $0x9;
	_ =	strace $0x8000004B  }
0x2b: {  	_ =	swait.ge [sflag:s29], $0x1  }
0x2c: {  	[sflag:s29] =	ssyncadd.s32 $0xFFFFFFFF  }
0x2d: {  	_ =	strace $0x9000004B  }
0x2e: {  	_ =	sfence  }
0x2f: {  	s30 =	sld [smem:$0x0];
	_ =	sdelay $0x2  }
0x30: {  	s31 =	sshll.u32 s1, $0xD;
	s1 =	sshrl.u32 s1, $0x2  }
0x31: {  	s3 =	sand.u32 $0x4000, s31;
	s1 =	sadd.s32 s1, s30  }
0x32: {  	s0 =	sor.u32 s3, s0;
	s1 =	sshll.u32 s1, $0x11  }
0x33: {  	s0 =	sor.u32 s1, s0  }
0x34: {  	s0 =	sadd.s32 $0x8F2B, s0  }
0x35: {  	[sflag:s0] =	ssyncadd.remote.s32 $0x1  }
0x36: {  	_ =	sfence.sel $0xFFFF  }
0x37: {  	[dreg:$0x0] =	wrdreg $0xFFFFFFFF;
	(pc) =	sbr.abs _section_cstart, $3  }
0x38: {  	[dreg:$0x1] =	wrdreg $0xFFFFFFFF  }
0x39: {  	_ =	task.clear_ibuf [dreg:s7], $0x2FFFF;
	_ =	strace $0x9FFFFFFF  }
0x3a: {  	(tm) =	ssettm $0x7FFFFFFF  }
0x3b: {  	_ =	shalt  }
tec
execute0_lowered:
.L_overlay_start_1:
0x0: {  	(tag) =	ssettag $0x1  }
0x1: {  	s0 =	srdreg.scid  }
0x2: {  	s1 =	sshll.u32 s0, $0x4  }
0x3: {  	s4 =	rddreg [dreg:$0x0];
	s0 =	stileid.u32;
	s1 =	sand.u32 $0x10, s1  }
0x4: {  	s2 =	rddreg [dreg:$0x1];
	s7 =	simm.s32 $0x1;
	s1 =	sor.u32 s0, s1  }
0x5: {  	s8 =	simm.s32 $0x2;
	s11 =	simm.s32 $0x0;
	s3 =	sshll.u32 s1, $0x7  }
0x6: {  	s10 =	simm.s32 $0x0;
	s4 =	sadd.s32 $0x800, s4;
	s6 =	ssub.s32 $0xC8000, s3  }
.Ltmp0:
0x7: {  	s1 =	rddreg [dreg:$0x2];
	s5 =	sand.u32 $0xF80, s6;
	(pc) =	sbr.rel .LBB1_1-.Ltmp0, $4  }
0x8: {  	_ =	strace $0x8000004A;
	s9 =	smov.u32 s3;
	p0 =	sne.s32 s5, $0x0  }
0x9: {  	s6 =	sshrl.u32 s6, $0xC;
	s5 =	simm.s32 $0x1;
	s7 =	simm.s32 @!p0 $0x0  }
0xa: {  	[sflag:s5] =	ssyncpa.u1 $0x0;
	p0 =	por $0x0, $0x0;
	s6 =	sadd.s32 s7, s6  }
0xb: {  	[sflag:s8] =	ssyncpa.u1 $0x0;
	s8 =	simm.s32 $0x640000;
	s7 =	sadd.s32 $0x1, s6  }
.LBB1_4:
0xc: {  	s14 =	sshll.u32 s11, $0x3  }
0xd: {  	s30 =	sand.u32 $0x7F, s11;
	s15 =	sand.u32 $0xFFFFFC00, s14  }
0xe: {  	s11 =	sor.u32 s30, s15  }
0xf: {  	s15 =	smulhi.u32 $0x51EB851F, s11  }
0x10: {  	s14 =	smulhi.u32 $0x51EB851F, s14  }
0x11: {  	s15 =	sshrl.u32 s15, $0x12  }
0x12: {  	s14 =	sshrl.u32 s14, $0x12;
	s15 =	smul.u32 $0xC8000, s15  }
0x13: {  	s14 =	sand.u32 $0x3F, s14  }
0x14: {  	s14 =	smul.u32 $0x19000, s14;
	s11 =	ssub.s32 s11, s15  }
0x15: {  	[tilespmem:s13+$0x810 ss:$0x81] =	vst.msk $0xffff, v2;
	s15 =	sand.u32 $0x7, s11  }
0x16: {  	[tilespmem:s13+$0x1020 ss:$0x81] =	vst.msk $0xffff, v0;
	s14 =	sadd.s32 s2, s14;
	s11 =	sshrl.u32 s11, $0x3;
	s15 =	sshll.u32 s15, $0x12  }
0x17: {  	[tilespmem:s13+$0x0 ss:$0x81] =	vst.msk $0xffff, v1;
	s11 =	sadd.s32 s11, s14;
	s31 =	sor.u32 $0x400, s15  }
0x18: {  	[hbm4b:s11+s31] =	stream.strided.scatter [tilespmem:s12], [sflag:$0x2], $0x2000, s8, s31, $0x20;
	[tilespmem:$0x8080] =	vst v63  }
.LBB1_5:
0x19: {  	s13 =	sadd.s32 $0x1000, s9  }
0x1a: {  	p2 =	sgt.s32 s13, $0xC7FFF  }
0x1b: {  	s13 =	smov.u32 @p2 s3;
	p2 =	sne.s32 s10, s7  }
.Ltmp1:
0x1c: {  	p1 =	slt.u32 s10, $0x2;
	(pc) =	sbr.rel @!p2 .LBB1_6-.Ltmp1, $4  }
0x1d: {  	s12 =	simm.s32 @!p1 $0x2  }
0x1e: {  	s14 =	sadd.s32 $0x1, s10;
	_ =	swait.ge @!p1 [sflag:s12], $0x2000  }
0x1f: {  	s11 =	smov.u32 s9;
	p0 =	por !p0, !p0;
	[sflag:s12] =	ssyncset.done @!p1 $0x0  }
0x20: {  	s10 =	smov.u32 s14;
	s9 =	smov.u32 s13;
	[sflag:s12] =	ssyncadd.s32 @!p1 $0xFFFFE000  }
.LBB1_1:
0x21: {  	p1 =	sge.u32 s10, s6  }
0x22: {  	s12 =	sand.u32 @!p1 $0x1FFFFFF, s9  }
0x23: {  	s13 =	smulhi.u32 @!p1 $0x147AE15, s12;
	_ =	sdelay $0x1  }
0x24: {  	s13 =	sshrl.u32 @!p1 s13, $0xC  }
0x25: {  	s13 =	smul.u32 @!p1 $0xC8000, s13;
	_ =	sdelay $0x1  }
0x26: {  	s31 =	sadd.s32 $0xFFFFFFFF, s10;
	s14 =	sxor.u32 @!p1 $0xFFFFFFFF, s10;
	s12 =	ssub.s32 @!p1 s12, s13  }
0x27: {  	s15 =	simm.s32 @!p1 $0x80;
	s14 =	sshll.u32 @!p1 s14, $0xD;
	s12 =	sshll.u32 @!p1 s12, $0x4  }
0x28: {  	s13 =	sand.u32 @!p1 $0x2000, s14;
	s14 =	simm.s32 @!p1 $0x40;
	s12 =	sadd.s32 @!p1 s4, s12  }
0x29: {  	[tilespmem:s13], [sflag:$0x1] =	stream.strided.gather @!p1 [hbm4b:s12+s14], $0x2000, s15, s14, $0x38;
	[tilespmem:$0x8080] =	vst v63  }
0x2a: {  	p1 =	sge.u32 s31, s6  }
.Ltmp2:
0x2b: {  	_ = 	snop;
	(pc) =	sbr.rel @p1 .LBB1_5-.Ltmp2, $1  }
0x2c: {  	_ =	sdelay $0x3  }
0x2d: {  	s12 =	simm.s32 $0x1  }
0x2e: {  	_ =	swait.ge [sflag:s5], $0x2000;
	s12 =	simm.s32 @!p0 $0x0  }
0x2f: {  	[sflag:s5] =	ssyncset.done $0x0;
	s13 =	sshll.u32 s12, $0xD  }
0x30: {  	[sflag:s5] =	ssyncadd.s32 $0xFFFFE000;
	s16 =	sor.u32 $0x20, s13  }
0x31: {  	s12 =	smul.u32 $0x8100, s12;
	v3 =	vld [tilespmem:s16+$0x10]  }
0x32: {  	s30 =	sand.u32 $0x1, s10;
	v2 =	vld [tilespmem:s16+$0xFFFFFFF0]  }
0x33: {  	s13 =	smul.u32 $0x8100, s30;
	s12 =	sshrl.u32 s12, $0x2;
	v0 =	vld [tilespmem:s16+$0x0]  }
0x34: {  	v1 =	vld [tilespmem:s16+$0xFFFFFFE0];
	s14 =	sor.u32 $0x4000, s12  }
0x35: {  	s31 =	sshrl.u32 s13, $0x2;
	s13 =	sadd.s32 $0x0, s14  }
0x36: {  	s15 =	simm.s32 $0x4;
	s16 =	sadd.s32 $0x40, s16;
	s12 =	sor.u32 $0x4000, s31;
	[tilespmem:s13+$0x1830 ss:$0x81] =	vst.msk $0xffff, v3  }
.LBB1_3:
0x37: {  	v3 =	vld [tilespmem:s16+$0x10];
	p1 =	sne.s32 s15, $0x1FC;
	[tilespmem:s13+$0x810 ss:$0x81] =	vst.msk $0xffff, v2;
	s17 =	smov.u32 s15;
	s15 =	sadd.s32 $0x4, s15  }
.Ltmp3:
0x38: {  	v2 =	vld [tilespmem:s16+$0xFFFFFFF0];
	[tilespmem:s13+$0x1020 ss:$0x81] =	vst.msk $0xffff, v0;
	(pc) =	sbr.rel @p1 .LBB1_3-.Ltmp3, $4  }
0x39: {  	v0 =	vld [tilespmem:s16+$0x0];
	[tilespmem:s13+$0x0 ss:$0x81] =	vst.msk $0xffff, v1  }
0x3a: {  	s13 =	sshra.s32 s17, $0x2;
	v1 =	vld [tilespmem:s16+$0xFFFFFFE0]  }
0x3b: {  	s13 =	sadd.s32 s13, s14  }
0x3c: {  	s16 =	sadd.s32 $0x40, s16;
	[tilespmem:s13+$0x1830 ss:$0x81] =	vst.msk $0xffff, v3  }
.Ltmp4:
0x3d: {  	_ = 	snop;
	(pc) =	sbr.rel .LBB1_4-.Ltmp4, $1  }
0x3e: {  	_ =	sdelay $0x3  }
.LBB1_6:
0x3f: {  	_ =	sfence.sel $0x180000  }
0x40: {  	s2 =	simm.s32 $0x1;
	[bflag:$0x0] =	sbarrier.arrive $0xFFFF  }
0x41: {  	s31 =	simm.s32 $0x2;
	[sflag:s2] =	ssyncpa.u1 $0x1  }
0x42: {  	[sflag:s31] =	ssyncpa.u1 $0x1  }
0x43: {  	p0 =	sne.s32 s0, $0x0;
	_ =	strace $0x9000004A  }
0x44: {  	s0 =	sadd.s32 @!p0 $0x100000, s1;
	[bflag:$0x2] =	sbarrier.arrive $0xFFFF  }
0x45: {  	[sflag:s0] =	ssyncadd.tile.s32 @!p0 $0x1;
	_ =	shalt  }
.Lfunc_end1:
_tile_overlayer_lowered:
.L_overlay_start_2:
0x46: {  	(tag) =	ssettag $0x2  }
0x47: {  	s0 =	rddreg [dreg:$0x0];
	s2 =	stileid.u32  }
0x48: {  	s1 =	rddreg [dreg:$0x1];
	p0 =	sne.s32 s2, $0x0  }
0x49: {  	s3 =	rddreg [dreg:$0x2];
	[bflag:$0x3] =	sbarrier.arrive $0xFFFF;
	s2 =	simm.s32 @!p0 $0x1C01  }
0x4a: {  	[timem:s3], [sflag:s2] =	dma.local @!p0 [hbm:s0], s1  }
0x4b: {  	s0 =	simm.s32 @!p0 $0x1  }
0x4c: {  	_ =	swait.ge @!p0 [sflag:s0], s1  }
0x4d: {  	s1 =	ssub.s32 @!p0 $0x0, s1;
	[sflag:s0] =	ssyncset.done @!p0 $0x0  }
0x4e: {  	[sflag:s0] =	ssyncadd.s32 @!p0 s1  }
0x4f: {  	[bflag:$0x3] =	sbarrier.arrive $0xFFFF  }
0x50: {  	_ =	shalt  }

</sc_bundles>
